<compile_context>
chip_gen: v7x
topology: tpu7x:2x2x1
jax: 0.10.2.dev20260603
libtpu: 0.0.44.dev20260713+nightly
codegen_flags: <defaults>
</compile_context>

<pallas_src>
import functools

import jax
import jax.numpy as jnp
from jax import lax
from jax.experimental import pallas as pl
from jax.experimental.pallas import tpu as pltpu
from jax.experimental.pallas import tpu_sc as plsc

N = 10000
E = 320000
F_IN = 128
H1 = 2 * F_IN
H2 = 3 * F_IN

NCORE = 2
NSUB = 16
NW = NCORE * NSUB
LANES = 16

B = 80
B1 = 2000
NROWCHUNK = N // B

_MESH = plsc.VectorSubcoreMesh(core_axis_name="c", subcore_axis_name="s")


def _zv():
    return jnp.zeros((LANES,), jnp.float32)


def _al8(v):
    return pl.multiple_of(v, 8)


def _n_row_chunks(s):
    return jnp.where(s < NROWCHUNK % NSUB,
                     NROWCHUNK // NSUB + 1, NROWCHUNK // NSUB)


def _zero_slab_and_barrier(slab, rows_v, s, fh):
    def zrow(i, _):
        for j in range(fh // LANES):
            rows_v[i, pl.ds(j * LANES, LANES)] = _zv()
        return 0

    lax.fori_loop(0, B, zrow, 0)

    def body(t, _):
        r0 = _al8((s + NSUB * t) * B)
        pltpu.sync_copy(rows_v, slab.at[pl.ds(r0, B)])
        return 0

    lax.fori_loop(0, _n_row_chunks(s), body, 0)
    plsc.subcore_barrier()


def _writeout(slab, out_hbm, row0, s):
    def body(t, _):
        r0 = _al8((s + NSUB * t) * B)
        pltpu.sync_copy(slab.at[pl.ds(r0, B)],
                        out_hbm.at[pl.ds(_al8(row0 + r0), B)])
        return 0

    lax.fori_loop(0, _n_row_chunks(s), body, 0)


def _make_agg_kernel(table_rows, split_edges_by_core):
    fh = 128
    per_tile = E // (NW if split_edges_by_core else NSUB)
    nchunk = per_tile // B

    @functools.partial(
        pl.kernel,
        out_type=jax.ShapeDtypeStruct((NCORE * N, fh), jnp.float32),
        mesh=_MESH,
        scratch_types=[
            pltpu.VMEM_SHARED((N, fh), jnp.float32),
            pltpu.VMEM((B,), jnp.int32),
            pltpu.VMEM((B,), jnp.int32),
            pltpu.VMEM((B, LANES), jnp.float32),
            pltpu.VMEM((B, fh), jnp.float32),
            pltpu.SemaphoreType.DMA,
        ],
    )
    def agg_kernel(tab_hbm, src_hbm, dst_hbm, ew_hbm, out_hbm,
                   slab, src_v, dst_v, ew_v, rows_v, sem):
        c = lax.axis_index("c")
        s = lax.axis_index("s")
        _zero_slab_and_barrier(slab, rows_v, s, fh)
        row0 = c * N
        if split_edges_by_core:
            base0 = (c * NSUB + s) * per_tile
        else:
            base0 = s * per_tile

        def chunk(k, _):
            base = _al8(base0 + k * B)
            pltpu.sync_copy(src_hbm.at[pl.ds(base, B)], src_v)
            pltpu.sync_copy(dst_hbm.at[pl.ds(base, B)], dst_v)
            pltpu.sync_copy(ew_hbm.at[pl.ds(base, B)], ew_v)
            if not split_edges_by_core:
                for t in range(B // LANES):
                    sl = pl.ds(t * LANES, LANES)
                    src_v[sl] = src_v[sl] + row0
            pltpu.async_copy(tab_hbm.at[src_v], rows_v, sem).wait()

            def scale(i, _):
                w = ew_v[i]
                for j in range(fh // LANES):
                    sl = pl.ds(j * LANES, LANES)
                    rows_v[i, sl] = rows_v[i, sl] * w
                return 0

            lax.fori_loop(0, B, scale, 0)
            pltpu.sync_copy(rows_v, slab.at[dst_v], add=True)
            return 0

        lax.fori_loop(0, nchunk, chunk, 0)
        plsc.subcore_barrier()
        _writeout(slab, out_hbm, row0, s)

    return agg_kernel


def _make_scalar_agg_kernel(gather_table):
    per_tile = E // NW
    nchunk = per_tile // B1

    scratch = [pltpu.VMEM((N,), jnp.float32),
               pltpu.VMEM((B1,), jnp.int32),
               pltpu.VMEM((B1,), jnp.float32)]
    if gather_table:
        scratch = ([pltpu.VMEM((N,), jnp.float32),
                    pltpu.VMEM((B1,), jnp.int32)] + scratch)

    @functools.partial(
        pl.kernel,
        out_type=jax.ShapeDtypeStruct((NW * N,), jnp.float32),
        mesh=_MESH,
        scratch_types=scratch,
        compiler_params=pltpu.CompilerParams(needs_layout_passes=False),
    )
    def scalar_kernel(*args):
        if gather_table:
            (tab_hbm, src_hbm, dst_hbm, ew_hbm, out_hbm,
             tab_v, src_v, part_v, dst_v, ew_v) = args
        else:
            dst_hbm, ew_hbm, out_hbm, part_v, dst_v, ew_v = args
        c = lax.axis_index("c")
        s = lax.axis_index("s")
        wid = c * NSUB + s

        def zp(i, _):
            part_v[pl.ds(i * LANES, LANES)] = _zv()
            return 0

        lax.fori_loop(0, N // LANES, zp, 0)
        if gather_table:
            pltpu.sync_copy(tab_hbm, tab_v)
        base0 = wid * per_tile

        def chunk(k, _):
            base = _al8(base0 + k * B1)
            if gather_table:
                pltpu.sync_copy(src_hbm.at[pl.ds(base, B1)], src_v)
            pltpu.sync_copy(dst_hbm.at[pl.ds(base, B1)], dst_v)
            pltpu.sync_copy(ew_hbm.at[pl.ds(base, B1)], ew_v)

            def step(t, _):
                sl = pl.ds(t * LANES, LANES)
                dv = dst_v[sl]
                wv = ew_v[sl]
                if gather_table:
                    wv = wv * plsc.load_gather(tab_v, [src_v[sl]])
                plsc.addupdate_scatter(part_v, [dv], wv)
                return 0

            lax.fori_loop(0, B1 // LANES, step, 0)
            return 0

        lax.fori_loop(0, nchunk, chunk, 0)
        pltpu.sync_copy(part_v, out_hbm.at[pl.ds(_al8(wid * N), N)])

    return scalar_kernel


_deg_call = _make_scalar_agg_kernel(False)
_zs_call = _make_scalar_agg_kernel(True)
_agg1_call = _make_agg_kernel(N, True)
_agg2_call = _make_agg_kernel(2 * N, False)



_R = 1000


def _prep_body(deg_ref, x_ref, dis_ref, hs1_ref):
    degsum = jnp.sum(deg_ref[...], axis=1)
    dis = lax.rsqrt(degsum + 1.0)
    dis_ref[...] = dis[:, None]
    hs1_ref[...] = dis[:, None] * x_ref[...]


def _l1_body(p_ref, hs_ref, dis_ref, w_ref, b_ref, out_ref):
    dis = dis_ref[...]
    t2 = dis * (p_ref[0] + p_ref[1] + hs_ref[...])
    h = jnp.maximum(jnp.dot(t2, w_ref[...],
                            preferred_element_type=jnp.float32) + b_ref[...],
                    0.0)
    dh = dis * h
    out_ref[...] = jnp.stack([dh[:, :H1 // 2], dh[:, H1 // 2:]], axis=0)


def _l2_body(aggs_ref, hs_ref, dis_ref, w2_ref, b2_ref, w3_ref, zs_ref):
    dis = dis_ref[...]
    t = dis[None] * (aggs_ref[...] + hs_ref[...])
    t2 = jnp.concatenate([t[0], t[1]], axis=1)
    h = jnp.maximum(jnp.dot(t2, w2_ref[...],
                            preferred_element_type=jnp.float32) + b2_ref[...],
                    0.0)
    zc = jnp.dot(h, w3_ref[...], preferred_element_type=jnp.float32)
    zs_ref[...] = (dis * zc)[:, 0:1]


def _fin_body(a3_ref, zs_ref, dis_ref, b3_ref, out_ref):
    a3 = jnp.sum(a3_ref[...], axis=1)
    out_ref[...] = (dis_ref[:, 0] * (a3 + zs_ref[:, 0]) + b3_ref[0, 0])[:, None]


def _rows_spec(shape):
    if len(shape) == 3:
        return pl.BlockSpec((shape[0], _R, shape[2]), lambda i: (0, i, 0))
    if shape[0] == N:
        return pl.BlockSpec((_R, shape[1]), lambda i: (i, 0))
    return pl.BlockSpec((shape[0], _R), lambda i: (0, i))


def _full_spec(shape):
    return pl.BlockSpec(shape, lambda i: tuple(0 for _ in shape))


def _prep_call(deg, x):
    return pl.pallas_call(
        _prep_body,
        grid=(N // _R,),
        in_specs=[_rows_spec((N, NW)), _rows_spec((N, F_IN))],
        out_specs=[_rows_spec((N, 1)), _rows_spec((N, F_IN))],
        out_shape=[jax.ShapeDtypeStruct((N, 1), jnp.float32),
                   jax.ShapeDtypeStruct((N, F_IN), jnp.float32)],
    )(deg, x)


def _l1_call(p, hs, dis, w, b):
    return pl.pallas_call(
        _l1_body,
        grid=(N // _R,),
        in_specs=[_rows_spec((2, N, F_IN)), _rows_spec((N, F_IN)),
                  _rows_spec((N, 1)), _full_spec((F_IN, H1)),
                  _full_spec((1, H1))],
        out_specs=_rows_spec((2, N, H1 // 2)),
        out_shape=jax.ShapeDtypeStruct((2, N, H1 // 2), jnp.float32),
    )(p, hs, dis, w, b)


def _l2_call(aggs, hs, dis, w2, b2, w3t):
    return pl.pallas_call(
        _l2_body,
        grid=(N // _R,),
        in_specs=[_rows_spec((2, N, H1 // 2)), _rows_spec((2, N, H1 // 2)),
                  _rows_spec((N, 1)), _full_spec((H1, H2)),
                  _full_spec((1, H2)), _full_spec((H2, LANES))],
        out_specs=_rows_spec((N, 1)),
        out_shape=jax.ShapeDtypeStruct((N, 1), jnp.float32),
    )(aggs, hs, dis, w2, b2, w3t)


def _fin_call(a3, zs, dis, b3):
    return pl.pallas_call(
        _fin_body,
        grid=(N // _R,),
        in_specs=[_rows_spec((N, NW)), _rows_spec((N, 1)),
                  _rows_spec((N, 1)), _full_spec((1, 1))],
        out_specs=_rows_spec((N, 1)),
        out_shape=jax.ShapeDtypeStruct((N, 1), jnp.float32),
    )(a3, zs, dis, b3)


def kernel(x, edge_index, edge_attr, edge_weights, W1, b1, W2, b2, W3, b3):
    del edge_attr
    src = edge_index[0]
    dst = edge_index[1]
    ew = edge_weights

    ew16 = jnp.broadcast_to(ew[:, None], (E, LANES))

    deg = _deg_call(dst, ew).reshape(NW, N).T
    dis, hs1 = _prep_call(deg, x)
    p1 = _agg1_call(hs1, src, dst, ew16)
    hs2 = _l1_call(p1.reshape(2, N, F_IN), hs1, dis,
                   W1, b1.reshape(1, H1))
    aggs2 = _agg2_call(hs2.reshape(2 * N, H1 // 2), src, dst, ew16)
    zs = _l2_call(aggs2.reshape(2, N, H1 // 2), hs2, dis,
                  W2, b2.reshape(1, H2), jnp.tile(W3, (1, LANES)))
    a3 = _zs_call(zs.reshape(N), src, dst, ew).reshape(NW, N).T
    out = _fin_call(a3, zs, dis, b3.reshape(1, 1))
    return out

# --- scband reference (transcript-rebuilt; emitter-appended) ---
"""Pipeline reference for scband-gcnregress-66675072303277 (READ-ONLY COPY).

The authoritative reference and input builder live on the scoring server;
editing this copy changes nothing except your own understanding.
"""

import jax, jax.numpy as jnp
import numpy as np

N = 10000
E = 320000
F_IN = 128
H1 = 2 * F_IN
H2 = 3 * F_IN
NC = 1


def setup_inputs(seed: int = 0) -> dict:
    key = jax.random.key(seed)
    ks = jax.random.split(key, 10)
    x = jax.random.normal(ks[0], (N, F_IN), dtype=jnp.float32)
    edge_index = jax.random.randint(ks[1], (2, E), 0, N, dtype=jnp.int32)
    edge_attr = jax.random.normal(ks[2], (E, 4), dtype=jnp.float32)
    edge_weights = jax.random.uniform(ks[3], (E,), dtype=jnp.float32)
    W1 = jax.random.normal(ks[4], (F_IN, H1), dtype=jnp.float32) * 0.05
    b1 = jnp.zeros((H1,), dtype=jnp.float32)
    W2 = jax.random.normal(ks[5], (H1, H2), dtype=jnp.float32) * 0.05
    b2 = jnp.zeros((H2,), dtype=jnp.float32)
    W3 = jax.random.normal(ks[6], (H2, NC), dtype=jnp.float32) * 0.05
    b3 = jnp.zeros((NC,), dtype=jnp.float32)
    return {"x": x, "edge_index": edge_index, "edge_attr": edge_attr,
            "edge_weights": edge_weights, "W1": W1, "b1": b1,
            "W2": W2, "b2": b2, "W3": W3, "b3": b3}


def _gcn_conv(x, edge_index, edge_weight, W, b):
    n = x.shape[0]
    src = edge_index[0]
    dst = edge_index[1]
    loop = jnp.arange(n, dtype=edge_index.dtype)
    src = jnp.concatenate([src, loop])
    dst = jnp.concatenate([dst, loop])
    ew = jnp.concatenate([edge_weight, jnp.ones((n,), dtype=edge_weight.dtype)])
    deg = jax.ops.segment_sum(ew, dst, num_segments=n)
    deg_inv_sqrt = jnp.where(deg > 0, deg ** -0.5, 0.0)
    norm = deg_inv_sqrt[src] * ew * deg_inv_sqrt[dst]
    xw = x @ W
    msg = xw[src] * norm[:, None]
    out = jax.ops.segment_sum(msg, dst, num_segments=n)
    return out + b


def reference(x, edge_index, edge_attr, edge_weights, W1, b1, W2, b2, W3, b3):
    h = _gcn_conv(x, edge_index, edge_weights, W1, b1)
    h = jax.nn.relu(h)
    h = _gcn_conv(h, edge_index, edge_weights, W2, b2)
    h = jax.nn.relu(h)
    out = _gcn_conv(h, edge_index, edge_weights, W3, b3)
    return out

if __name__ == "__main__":
    import jax
    _d = setup_inputs()
    print(jax.jit(kernel)(*tuple(_d.values())))

</pallas_src>

<mosaic_0001>
#map = affine_map<(d0, d1) -> (0)>
module attributes {stable_mosaic.version = 14 : i64} {
  func.func @scalar_kernel(%arg0: i32, %arg1: i32, %arg2: memref<320000xi32, #tpu.memory_space<hbm>>, %arg3: memref<320000xf32, #tpu.memory_space<hbm>>, %arg4: memref<320000xf32, #tpu.memory_space<hbm>>, %arg5: memref<10000xf32, #tpu.memory_space<vmem>>, %arg6: memref<2000xi32, #tpu.memory_space<vmem>>, %arg7: memref<2000xf32, #tpu.memory_space<vmem>>) attributes {dimension_semantics = [#tpu.dimension_semantics<core_parallel>, #tpu.dimension_semantics<subcore_parallel>], iteration_bounds = array<i64: 2, 16>, scalar_prefetch = 0 : i64, scratch_operands = 3 : i64, tpu.core_type = #tpu.core_type<sc_vector_subcore>, window_params = [{transform_indices = #map}, {transform_indices = #map}, {transform_indices = #map}]} {
    %mul3A = arith.constant 16 : i32
    %mul3A_0 = arith.muli %arg0, %mul3A : i32
    %add3A = arith.addi %mul3A_0, %arg1 : i32
    %scan3A = arith.constant 0 : i32
    %scan3A_1 = arith.constant 0 : i32
    %scan3A_2 = arith.constant 625 : i32
    %scan3A_3 = arith.addi %scan3A_1, %scan3A_2 : i32
    %scan3A_4 = arith.constant 1 : i32
    %scan3A_5 = scf.for %scan3A_18 = %scan3A_1 to %scan3A_3 step %scan3A_4 iter_args(%scan3A_19 = %scan3A) -> (i32)  : i32 {
      %broadcast_in_dim3A = arith.constant 0.000000e+00 : f32
      %broadcast_in_dim3A_20 = vector.broadcast %broadcast_in_dim3A : f32 to vector<16xf32>
      %mul3A_21 = arith.constant 16 : i32
      %mul3A_22 = arith.muli %scan3A_18, %mul3A_21 : i32
      %swap3A = arith.index_cast %mul3A_22 : i32 to index
      %swap3A_23 = tpu.vector_load %arg5[%swap3A] {strides = array<i32>} : memref<10000xf32, #tpu.memory_space<vmem>>, vector<16xf32>,
      tpu.vector_store %arg5[%swap3A], %broadcast_in_dim3A_20 {strides = array<i32>} : memref<10000xf32, #tpu.memory_space<vmem>>, vector<16xf32>,
      %scan3A_24 = arith.constant 0 : i32
      scf.yield %scan3A_24 : i32
    }
    %scan3A_6 = arith.constant 625 : i32
    %mul3A_7 = arith.constant 10000 : i32
    %mul3A_8 = arith.muli %add3A, %mul3A_7 : i32
    %scan3A_9 = arith.constant 0 : i32
    %scan3A_10 = arith.constant 0 : i32
    %scan3A_11 = arith.constant 5 : i32
    %scan3A_12 = arith.addi %scan3A_10, %scan3A_11 : i32
    %scan3A_13 = arith.constant 1 : i32
    %scan3A_14 = scf.for %scan3A_18 = %scan3A_10 to %scan3A_12 step %scan3A_13 iter_args(%scan3A_19 = %scan3A_9) -> (i32)  : i32 {
      %mul3A_20 = arith.constant 2000 : i32
      %mul3A_21 = arith.muli %scan3A_18, %mul3A_20 : i32
      %add3A_22 = arith.addi %mul3A_8, %mul3A_21 : i32
      %multiple_of3A_23 = tpu.assume_multiple %add3A_22, 8 : i32
      "tpu.region"() ({
        %run_scoped3A = tpu.sem_alloc : memref<!tpu.dma_semaphore, #tpu.memory_space<semaphore_mem>>
        %dma_start3A = tpu.memref_slice %arg2[%multiple_of3A_23] : memref<320000xi32, #tpu.memory_space<hbm>> -> memref<2000xi32, #tpu.memory_space<hbm>>
        %dma_start3A_32 = tpu.memref_slice %arg2[%multiple_of3A_23] : memref<320000xi32, #tpu.memory_space<hbm>> -> memref<2000xi32, #tpu.memory_space<hbm>>
        tpu.enqueue_dma source(%dma_start3A_32 : memref<2000xi32, #tpu.memory_space<hbm>>) target(%arg6 : memref<2000xi32, #tpu.memory_space<vmem>>) target_semaphore(%run_scoped3A : memref<!tpu.dma_semaphore, #tpu.memory_space<semaphore_mem>>)
        %dma_wait3A = tpu.memref_slice %arg2[%multiple_of3A_23] : memref<320000xi32, #tpu.memory_space<hbm>> -> memref<2000xi32, #tpu.memory_space<hbm>>
        %dma_wait3A_33 = tpu.memref_slice %arg2[%multiple_of3A_23] : memref<320000xi32, #tpu.memory_space<hbm>> -> memref<2000xi32, #tpu.memory_space<hbm>>
        tpu.wait_dma2 semaphore(%run_scoped3A : memref<!tpu.dma_semaphore, #tpu.memory_space<semaphore_mem>>) src(%dma_wait3A_33 : memref<2000xi32, #tpu.memory_space<hbm>>) dst(%arg6 : memref<2000xi32, #tpu.memory_space<vmem>>)
        tpu.yield
      }) : () -> ()
      "tpu.region"() ({
        %run_scoped3A = tpu.sem_alloc : memref<!tpu.dma_semaphore, #tpu.memory_space<semaphore_mem>>
        %dma_start3A = tpu.memref_slice %arg3[%multiple_of3A_23] : memref<320000xf32, #tpu.memory_space<hbm>> -> memref<2000xf32, #tpu.memory_space<hbm>>
        %dma_start3A_32 = tpu.memref_slice %arg3[%multiple_of3A_23] : memref<320000xf32, #tpu.memory_space<hbm>> -> memref<2000xf32, #tpu.memory_space<hbm>>
        tpu.enqueue_dma source(%dma_start3A_32 : memref<2000xf32, #tpu.memory_space<hbm>>) target(%arg7 : memref<2000xf32, #tpu.memory_space<vmem>>) target_semaphore(%run_scoped3A : memref<!tpu.dma_semaphore, #tpu.memory_space<semaphore_mem>>)
        %dma_wait3A = tpu.memref_slice %arg3[%multiple_of3A_23] : memref<320000xf32, #tpu.memory_space<hbm>> -> memref<2000xf32, #tpu.memory_space<hbm>>
        %dma_wait3A_33 = tpu.memref_slice %arg3[%multiple_of3A_23] : memref<320000xf32, #tpu.memory_space<hbm>> -> memref<2000xf32, #tpu.memory_space<hbm>>
        tpu.wait_dma2 semaphore(%run_scoped3A : memref<!tpu.dma_semaphore, #tpu.memory_space<semaphore_mem>>) src(%dma_wait3A_33 : memref<2000xf32, #tpu.memory_space<hbm>>) dst(%arg7 : memref<2000xf32, #tpu.memory_space<vmem>>)
        tpu.yield
      }) : () -> ()
      %scan3A_24 = arith.constant 0 : i32
      %scan3A_25 = arith.constant 0 : i32
      %scan3A_26 = arith.constant 125 : i32
      %scan3A_27 = arith.addi %scan3A_25, %scan3A_26 : i32
      %scan3A_28 = arith.constant 1 : i32
      %scan3A_29 = scf.for %scan3A_32 = %scan3A_25 to %scan3A_27 step %scan3A_28 iter_args(%scan3A_33 = %scan3A_24) -> (i32)  : i32 {
        %mul3A_34 = arith.constant 16 : i32
        %mul3A_35 = arith.muli %scan3A_32, %mul3A_34 : i32
        %get3A = arith.index_cast %mul3A_35 : i32 to index
        %get3A_36 = tpu.vector_load %arg6[%get3A] {strides = array<i32>} : memref<2000xi32, #tpu.memory_space<vmem>>, vector<16xi32>,
        %get3A_37 = arith.index_cast %mul3A_35 : i32 to index
        %get3A_38 = tpu.vector_load %arg7[%get3A_37] {strides = array<i32>} : memref<2000xf32, #tpu.memory_space<vmem>>, vector<16xf32>,
        tpu.vector_store_idx %arg5[%get3A_36], %get3A_38 {add = true} : memref<10000xf32, #tpu.memory_space<vmem>>[vector<16xi32>], vector<16xf32>,
        %scan3A_39 = arith.constant 0 : i32
        scf.yield %scan3A_39 : i32
      }
      %scan3A_30 = arith.constant 125 : i32
      %scan3A_31 = arith.constant 0 : i32
      scf.yield %scan3A_31 : i32
    }
    %scan3A_15 = arith.constant 5 : i32
    %mul3A_16 = arith.constant 10000 : i32
    %mul3A_17 = arith.muli %add3A, %mul3A_16 : i32
    %multiple_of3A = tpu.assume_multiple %mul3A_17, 8 : i32
    "tpu.region"() ({
      %run_scoped3A = tpu.sem_alloc : memref<!tpu.dma_semaphore, #tpu.memory_space<semaphore_mem>>
      %dma_start3A = tpu.memref_slice %arg4[%multiple_of3A] : memref<320000xf32, #tpu.memory_space<hbm>> -> memref<10000xf32, #tpu.memory_space<hbm>>
      %dma_start3A_18 = tpu.memref_slice %arg4[%multiple_of3A] : memref<320000xf32, #tpu.memory_space<hbm>> -> memref<10000xf32, #tpu.memory_space<hbm>>
      tpu.enqueue_dma source(%arg5 : memref<10000xf32, #tpu.memory_space<vmem>>) target(%dma_start3A_18 : memref<10000xf32, #tpu.memory_space<hbm>>) target_semaphore(%run_scoped3A : memref<!tpu.dma_semaphore, #tpu.memory_space<semaphore_mem>>)
      %dma_wait3A = tpu.memref_slice %arg4[%multiple_of3A] : memref<320000xf32, #tpu.memory_space<hbm>> -> memref<10000xf32, #tpu.memory_space<hbm>>
      %dma_wait3A_19 = tpu.memref_slice %arg4[%multiple_of3A] : memref<320000xf32, #tpu.memory_space<hbm>> -> memref<10000xf32, #tpu.memory_space<hbm>>
      tpu.wait_dma2 semaphore(%run_scoped3A : memref<!tpu.dma_semaphore, #tpu.memory_space<semaphore_mem>>) src(%arg5 : memref<10000xf32, #tpu.memory_space<vmem>>) dst(%dma_wait3A_19 : memref<10000xf32, #tpu.memory_space<hbm>>)
      tpu.yield
    }) : () -> ()
    return
  }
}

#map = affine_map<(d0, d1) -> (0)>
module attributes {stable_mosaic.version = 14 : i64} {
  func.func @scalar_kernel(%arg0: i32, %arg1: i32, %arg2: memref<10000xf32, #tpu.memory_space<hbm>>, %arg3: memref<320000xi32, #tpu.memory_space<hbm>>, %arg4: memref<320000xi32, #tpu.memory_space<hbm>>, %arg5: memref<320000xf32, #tpu.memory_space<hbm>>, %arg6: memref<320000xf32, #tpu.memory_space<hbm>>, %arg7: memref<10000xf32, #tpu.memory_space<vmem>>, %arg8: memref<2000xi32, #tpu.memory_space<vmem>>, %arg9: memref<10000xf32, #tpu.memory_space<vmem>>, %arg10: memref<2000xi32, #tpu.memory_space<vmem>>, %arg11: memref<2000xf32, #tpu.memory_space<vmem>>) attributes {dimension_semantics = [#tpu.dimension_semantics<core_parallel>, #tpu.dimension_semantics<subcore_parallel>], iteration_bounds = array<i64: 2, 16>, scalar_prefetch = 0 : i64, scratch_operands = 5 : i64, tpu.core_type = #tpu.core_type<sc_vector_subcore>, window_params = [{transform_indices = #map}, {transform_indices = #map}, {transform_indices = #map}, {transform_indices = #map}, {transform_indices = #map}]} {
    %mul3A = arith.constant 16 : i32
    %mul3A_0 = arith.muli %arg0, %mul3A : i32
    %add3A = arith.addi %mul3A_0, %arg1 : i32
    %scan3A = arith.constant 0 : i32
    %scan3A_1 = arith.constant 0 : i32
    %scan3A_2 = arith.constant 625 : i32
    %scan3A_3 = arith.addi %scan3A_1, %scan3A_2 : i32
    %scan3A_4 = arith.constant 1 : i32
    %scan3A_5 = scf.for %scan3A_18 = %scan3A_1 to %scan3A_3 step %scan3A_4 iter_args(%scan3A_19 = %scan3A) -> (i32)  : i32 {
      %broadcast_in_dim3A = arith.constant 0.000000e+00 : f32
      %broadcast_in_dim3A_20 = vector.broadcast %broadcast_in_dim3A : f32 to vector<16xf32>
      %mul3A_21 = arith.constant 16 : i32
      %mul3A_22 = arith.muli %scan3A_18, %mul3A_21 : i32
      %swap3A = arith.index_cast %mul3A_22 : i32 to index
      %swap3A_23 = tpu.vector_load %arg9[%swap3A] {strides = array<i32>} : memref<10000xf32, #tpu.memory_space<vmem>>, vector<16xf32>,
      tpu.vector_store %arg9[%swap3A], %broadcast_in_dim3A_20 {strides = array<i32>} : memref<10000xf32, #tpu.memory_space<vmem>>, vector<16xf32>,
      %scan3A_24 = arith.constant 0 : i32
      scf.yield %scan3A_24 : i32
    }
    %scan3A_6 = arith.constant 625 : i32
    "tpu.region"() ({
      %run_scoped3A = tpu.sem_alloc : memref<!tpu.dma_semaphore, #tpu.memory_space<semaphore_mem>>
      tpu.enqueue_dma source(%arg2 : memref<10000xf32, #tpu.memory_space<hbm>>) target(%arg7 : memref<10000xf32, #tpu.memory_space<vmem>>) target_semaphore(%run_scoped3A : memref<!tpu.dma_semaphore, #tpu.memory_space<semaphore_mem>>)
      tpu.wait_dma2 semaphore(%run_scoped3A : memref<!tpu.dma_semaphore, #tpu.memory_space<semaphore_mem>>) src(%arg2 : memref<10000xf32, #tpu.memory_space<hbm>>) dst(%arg7 : memref<10000xf32, #tpu.memory_space<vmem>>)
      tpu.yield
    }) : () -> ()
    %mul3A_7 = arith.constant 10000 : i32
    %mul3A_8 = arith.muli %add3A, %mul3A_7 : i32
    %scan3A_9 = arith.constant 0 : i32
    %scan3A_10 = arith.constant 0 : i32
    %scan3A_11 = arith.constant 5 : i32
    %scan3A_12 = arith.addi %scan3A_10, %scan3A_11 : i32
    %scan3A_13 = arith.constant 1 : i32
    %scan3A_14 = scf.for %scan3A_18 = %scan3A_10 to %scan3A_12 step %scan3A_13 iter_args(%scan3A_19 = %scan3A_9) -> (i32)  : i32 {
      %mul3A_20 = arith.constant 2000 : i32
      %mul3A_21 = arith.muli %scan3A_18, %mul3A_20 : i32
      %add3A_22 = arith.addi %mul3A_8, %mul3A_21 : i32
      %multiple_of3A_23 = tpu.assume_multiple %add3A_22, 8 : i32
      "tpu.region"() ({
        %run_scoped3A = tpu.sem_alloc : memref<!tpu.dma_semaphore, #tpu.memory_space<semaphore_mem>>
        %dma_start3A = tpu.memref_slice %arg3[%multiple_of3A_23] : memref<320000xi32, #tpu.memory_space<hbm>> -> memref<2000xi32, #tpu.memory_space<hbm>>
        %dma_start3A_32 = tpu.memref_slice %arg3[%multiple_of3A_23] : memref<320000xi32, #tpu.memory_space<hbm>> -> memref<2000xi32, #tpu.memory_space<hbm>>
        tpu.enqueue_dma source(%dma_start3A_32 : memref<2000xi32, #tpu.memory_space<hbm>>) target(%arg8 : memref<2000xi32, #tpu.memory_space<vmem>>) target_semaphore(%run_scoped3A : memref<!tpu.dma_semaphore, #tpu.memory_space<semaphore_mem>>)
        %dma_wait3A = tpu.memref_slice %arg3[%multiple_of3A_23] : memref<320000xi32, #tpu.memory_space<hbm>> -> memref<2000xi32, #tpu.memory_space<hbm>>
        %dma_wait3A_33 = tpu.memref_slice %arg3[%multiple_of3A_23] : memref<320000xi32, #tpu.memory_space<hbm>> -> memref<2000xi32, #tpu.memory_space<hbm>>
        tpu.wait_dma2 semaphore(%run_scoped3A : memref<!tpu.dma_semaphore, #tpu.memory_space<semaphore_mem>>) src(%dma_wait3A_33 : memref<2000xi32, #tpu.memory_space<hbm>>) dst(%arg8 : memref<2000xi32, #tpu.memory_space<vmem>>)
        tpu.yield
      }) : () -> ()
      "tpu.region"() ({
        %run_scoped3A = tpu.sem_alloc : memref<!tpu.dma_semaphore, #tpu.memory_space<semaphore_mem>>
        %dma_start3A = tpu.memref_slice %arg4[%multiple_of3A_23] : memref<320000xi32, #tpu.memory_space<hbm>> -> memref<2000xi32, #tpu.memory_space<hbm>>
        %dma_start3A_32 = tpu.memref_slice %arg4[%multiple_of3A_23] : memref<320000xi32, #tpu.memory_space<hbm>> -> memref<2000xi32, #tpu.memory_space<hbm>>
        tpu.enqueue_dma source(%dma_start3A_32 : memref<2000xi32, #tpu.memory_space<hbm>>) target(%arg10 : memref<2000xi32, #tpu.memory_space<vmem>>) target_semaphore(%run_scoped3A : memref<!tpu.dma_semaphore, #tpu.memory_space<semaphore_mem>>)
        %dma_wait3A = tpu.memref_slice %arg4[%multiple_of3A_23] : memref<320000xi32, #tpu.memory_space<hbm>> -> memref<2000xi32, #tpu.memory_space<hbm>>
        %dma_wait3A_33 = tpu.memref_slice %arg4[%multiple_of3A_23] : memref<320000xi32, #tpu.memory_space<hbm>> -> memref<2000xi32, #tpu.memory_space<hbm>>
        tpu.wait_dma2 semaphore(%run_scoped3A : memref<!tpu.dma_semaphore, #tpu.memory_space<semaphore_mem>>) src(%dma_wait3A_33 : memref<2000xi32, #tpu.memory_space<hbm>>) dst(%arg10 : memref<2000xi32, #tpu.memory_space<vmem>>)
        tpu.yield
      }) : () -> ()
      "tpu.region"() ({
        %run_scoped3A = tpu.sem_alloc : memref<!tpu.dma_semaphore, #tpu.memory_space<semaphore_mem>>
        %dma_start3A = tpu.memref_slice %arg5[%multiple_of3A_23] : memref<320000xf32, #tpu.memory_space<hbm>> -> memref<2000xf32, #tpu.memory_space<hbm>>
        %dma_start3A_32 = tpu.memref_slice %arg5[%multiple_of3A_23] : memref<320000xf32, #tpu.memory_space<hbm>> -> memref<2000xf32, #tpu.memory_space<hbm>>
        tpu.enqueue_dma source(%dma_start3A_32 : memref<2000xf32, #tpu.memory_space<hbm>>) target(%arg11 : memref<2000xf32, #tpu.memory_space<vmem>>) target_semaphore(%run_scoped3A : memref<!tpu.dma_semaphore, #tpu.memory_space<semaphore_mem>>)
        %dma_wait3A = tpu.memref_slice %arg5[%multiple_of3A_23] : memref<320000xf32, #tpu.memory_space<hbm>> -> memref<2000xf32, #tpu.memory_space<hbm>>
        %dma_wait3A_33 = tpu.memref_slice %arg5[%multiple_of3A_23] : memref<320000xf32, #tpu.memory_space<hbm>> -> memref<2000xf32, #tpu.memory_space<hbm>>
        tpu.wait_dma2 semaphore(%run_scoped3A : memref<!tpu.dma_semaphore, #tpu.memory_space<semaphore_mem>>) src(%dma_wait3A_33 : memref<2000xf32, #tpu.memory_space<hbm>>) dst(%arg11 : memref<2000xf32, #tpu.memory_space<vmem>>)
        tpu.yield
      }) : () -> ()
      %scan3A_24 = arith.constant 0 : i32
      %scan3A_25 = arith.constant 0 : i32
      %scan3A_26 = arith.constant 125 : i32
      %scan3A_27 = arith.addi %scan3A_25, %scan3A_26 : i32
      %scan3A_28 = arith.constant 1 : i32
      %scan3A_29 = scf.for %scan3A_32 = %scan3A_25 to %scan3A_27 step %scan3A_28 iter_args(%scan3A_33 = %scan3A_24) -> (i32)  : i32 {
        %mul3A_34 = arith.constant 16 : i32
        %mul3A_35 = arith.muli %scan3A_32, %mul3A_34 : i32
        %get3A = arith.index_cast %mul3A_35 : i32 to index
        %get3A_36 = tpu.vector_load %arg10[%get3A] {strides = array<i32>} : memref<2000xi32, #tpu.memory_space<vmem>>, vector<16xi32>,
        %get3A_37 = arith.index_cast %mul3A_35 : i32 to index
        %get3A_38 = tpu.vector_load %arg11[%get3A_37] {strides = array<i32>} : memref<2000xf32, #tpu.memory_space<vmem>>, vector<16xf32>,
        %get3A_39 = arith.index_cast %mul3A_35 : i32 to index
        %get3A_40 = tpu.vector_load %arg8[%get3A_39] {strides = array<i32>} : memref<2000xi32, #tpu.memory_space<vmem>>, vector<16xi32>,
        %gather3A = tpu.vector_load_idx %arg7[%get3A_40] : memref<10000xf32, #tpu.memory_space<vmem>>[vector<16xi32>], vector<16xf32>,
        %mul3A_41 = arith.mulf %get3A_38, %gather3A : vector<16xf32>
        tpu.vector_store_idx %arg9[%get3A_36], %mul3A_41 {add = true} : memref<10000xf32, #tpu.memory_space<vmem>>[vector<16xi32>], vector<16xf32>,
        %scan3A_42 = arith.constant 0 : i32
        scf.yield %scan3A_42 : i32
      }
      %scan3A_30 = arith.constant 125 : i32
      %scan3A_31 = arith.constant 0 : i32
      scf.yield %scan3A_31 : i32
    }
    %scan3A_15 = arith.constant 5 : i32
    %mul3A_16 = arith.constant 10000 : i32
    %mul3A_17 = arith.muli %add3A, %mul3A_16 : i32
    %multiple_of3A = tpu.assume_multiple %mul3A_17, 8 : i32
    "tpu.region"() ({
      %run_scoped3A = tpu.sem_alloc : memref<!tpu.dma_semaphore, #tpu.memory_space<semaphore_mem>>
      %dma_start3A = tpu.memref_slice %arg6[%multiple_of3A] : memref<320000xf32, #tpu.memory_space<hbm>> -> memref<10000xf32, #tpu.memory_space<hbm>>
      %dma_start3A_18 = tpu.memref_slice %arg6[%multiple_of3A] : memref<320000xf32, #tpu.memory_space<hbm>> -> memref<10000xf32, #tpu.memory_space<hbm>>
      tpu.enqueue_dma source(%arg9 : memref<10000xf32, #tpu.memory_space<vmem>>) target(%dma_start3A_18 : memref<10000xf32, #tpu.memory_space<hbm>>) target_semaphore(%run_scoped3A : memref<!tpu.dma_semaphore, #tpu.memory_space<semaphore_mem>>)
      %dma_wait3A = tpu.memref_slice %arg6[%multiple_of3A] : memref<320000xf32, #tpu.memory_space<hbm>> -> memref<10000xf32, #tpu.memory_space<hbm>>
      %dma_wait3A_19 = tpu.memref_slice %arg6[%multiple_of3A] : memref<320000xf32, #tpu.memory_space<hbm>> -> memref<10000xf32, #tpu.memory_space<hbm>>
      tpu.wait_dma2 semaphore(%run_scoped3A : memref<!tpu.dma_semaphore, #tpu.memory_space<semaphore_mem>>) src(%arg9 : memref<10000xf32, #tpu.memory_space<vmem>>) dst(%dma_wait3A_19 : memref<10000xf32, #tpu.memory_space<hbm>>)
      tpu.yield
    }) : () -> ()
    return
  }
}

#map = affine_map<(d0, d1) -> (0, 0)>
#map1 = affine_map<(d0, d1) -> (0)>
module attributes {stable_mosaic.version = 14 : i64} {
  func.func @agg_kernel(%arg0: i32, %arg1: i32, %arg2: memref<20000x128xf32, #tpu.memory_space<hbm>>, %arg3: memref<320000xi32, #tpu.memory_space<hbm>>, %arg4: memref<320000xi32, #tpu.memory_space<hbm>>, %arg5: memref<320000x16xf32, #tpu.memory_space<hbm>>, %arg6: memref<20000x128xf32, #tpu.memory_space<hbm>>, %arg7: memref<10000x128xf32, #tpu.memory_space<vmem_shared>>, %arg8: memref<80xi32, #tpu.memory_space<vmem>>, %arg9: memref<80xi32, #tpu.memory_space<vmem>>, %arg10: memref<80x16xf32, #tpu.memory_space<vmem>>, %arg11: memref<80x128xf32, #tpu.memory_space<vmem>>, %arg12: memref<!tpu.dma_semaphore, #tpu.memory_space<semaphore_mem>>) attributes {dimension_semantics = [#tpu.dimension_semantics<core_parallel>, #tpu.dimension_semantics<subcore_parallel>], iteration_bounds = array<i64: 2, 16>, scalar_prefetch = 0 : i64, scratch_operands = 6 : i64, tpu.core_type = #tpu.core_type<sc_vector_subcore>, window_params = [{transform_indices = #map}, {transform_indices = #map1}, {transform_indices = #map1}, {transform_indices = #map}, {transform_indices = #map}]} {
    %scan3A = arith.constant 0 : i32
    %scan3A_0 = arith.constant 0 : i32
    %scan3A_1 = arith.constant 80 : i32
    %scan3A_2 = arith.addi %scan3A_0, %scan3A_1 : i32
    %scan3A_3 = arith.constant 1 : i32
    %scan3A_4 = scf.for %scan3A_47 = %scan3A_0 to %scan3A_2 step %scan3A_3 iter_args(%scan3A_48 = %scan3A) -> (i32)  : i32 {
      %broadcast_in_dim3A = arith.constant 0.000000e+00 : f32
      %broadcast_in_dim3A_49 = vector.broadcast %broadcast_in_dim3A : f32 to vector<16xf32>
      %swap3A = arith.index_cast %scan3A_47 : i32 to index
      %swap3A_50 = arith.constant 0 : index
      %swap3A_51 = tpu.vector_load %arg11[%swap3A, %swap3A_50] {strides = array<i32>} : memref<80x128xf32, #tpu.memory_space<vmem>>, vector<1x16xf32>,
      %swap3A_52 = vector.shape_cast %swap3A_51 : vector<1x16xf32> to vector<16xf32>
      %swap3A_53 = vector.shape_cast %broadcast_in_dim3A_49 : vector<16xf32> to vector<1x16xf32>
      tpu.vector_store %arg11[%swap3A, %swap3A_50], %swap3A_53 {strides = array<i32>} : memref<80x128xf32, #tpu.memory_space<vmem>>, vector<1x16xf32>,
      %broadcast_in_dim3A_54 = arith.constant 0.000000e+00 : f32
      %broadcast_in_dim3A_55 = vector.broadcast %broadcast_in_dim3A_54 : f32 to vector<16xf32>
      %swap3A_56 = arith.index_cast %scan3A_47 : i32 to index
      %swap3A_57 = arith.constant 16 : index
      %swap3A_58 = tpu.vector_load %arg11[%swap3A_56, %swap3A_57] {strides = array<i32>} : memref<80x128xf32, #tpu.memory_space<vmem>>, vector<1x16xf32>,
      %swap3A_59 = vector.shape_cast %swap3A_58 : vector<1x16xf32> to vector<16xf32>
      %swap3A_60 = vector.shape_cast %broadcast_in_dim3A_55 : vector<16xf32> to vector<1x16xf32>
      tpu.vector_store %arg11[%swap3A_56, %swap3A_57], %swap3A_60 {strides = array<i32>} : memref<80x128xf32, #tpu.memory_space<vmem>>, vector<1x16xf32>,
      %broadcast_in_dim3A_61 = arith.constant 0.000000e+00 : f32
      %broadcast_in_dim3A_62 = vector.broadcast %broadcast_in_dim3A_61 : f32 to vector<16xf32>
      %swap3A_63 = arith.index_cast %scan3A_47 : i32 to index
      %swap3A_64 = arith.constant 32 : index
      %swap3A_65 = tpu.vector_load %arg11[%swap3A_63, %swap3A_64] {strides = array<i32>} : memref<80x128xf32, #tpu.memory_space<vmem>>, vector<1x16xf32>,
      %swap3A_66 = vector.shape_cast %swap3A_65 : vector<1x16xf32> to vector<16xf32>
      %swap3A_67 = vector.shape_cast %broadcast_in_dim3A_62 : vector<16xf32> to vector<1x16xf32>
      tpu.vector_store %arg11[%swap3A_63, %swap3A_64], %swap3A_67 {strides = array<i32>} : memref<80x128xf32, #tpu.memory_space<vmem>>, vector<1x16xf32>,
      %broadcast_in_dim3A_68 = arith.constant 0.000000e+00 : f32
      %broadcast_in_dim3A_69 = vector.broadcast %broadcast_in_dim3A_68 : f32 to vector<16xf32>
      %swap3A_70 = arith.index_cast %scan3A_47 : i32 to index
      %swap3A_71 = arith.constant 48 : index
      %swap3A_72 = tpu.vector_load %arg11[%swap3A_70, %swap3A_71] {strides = array<i32>} : memref<80x128xf32, #tpu.memory_space<vmem>>, vector<1x16xf32>,
      %swap3A_73 = vector.shape_cast %swap3A_72 : vector<1x16xf32> to vector<16xf32>
      %swap3A_74 = vector.shape_cast %broadcast_in_dim3A_69 : vector<16xf32> to vector<1x16xf32>
      tpu.vector_store %arg11[%swap3A_70, %swap3A_71], %swap3A_74 {strides = array<i32>} : memref<80x128xf32, #tpu.memory_space<vmem>>, vector<1x16xf32>,
      %broadcast_in_dim3A_75 = arith.constant 0.000000e+00 : f32
      %broadcast_in_dim3A_76 = vector.broadcast %broadcast_in_dim3A_75 : f32 to vector<16xf32>
      %swap3A_77 = arith.index_cast %scan3A_47 : i32 to index
      %swap3A_78 = arith.constant 64 : index
      %swap3A_79 = tpu.vector_load %arg11[%swap3A_77, %swap3A_78] {strides = array<i32>} : memref<80x128xf32, #tpu.memory_space<vmem>>, vector<1x16xf32>,
      %swap3A_80 = vector.shape_cast %swap3A_79 : vector<1x16xf32> to vector<16xf32>
      %swap3A_81 = vector.shape_cast %broadcast_in_dim3A_76 : vector<16xf32> to vector<1x16xf32>
      tpu.vector_store %arg11[%swap3A_77, %swap3A_78], %swap3A_81 {strides = array<i32>} : memref<80x128xf32, #tpu.memory_space<vmem>>, vector<1x16xf32>,
      %broadcast_in_dim3A_82 = arith.constant 0.000000e+00 : f32
      %broadcast_in_dim3A_83 = vector.broadcast %broadcast_in_dim3A_82 : f32 to vector<16xf32>
      %swap3A_84 = arith.index_cast %scan3A_47 : i32 to index
      %swap3A_85 = arith.constant 80 : index
      %swap3A_86 = tpu.vector_load %arg11[%swap3A_84, %swap3A_85] {strides = array<i32>} : memref<80x128xf32, #tpu.memory_space<vmem>>, vector<1x16xf32>,
      %swap3A_87 = vector.shape_cast %swap3A_86 : vector<1x16xf32> to vector<16xf32>
      %swap3A_88 = vector.shape_cast %broadcast_in_dim3A_83 : vector<16xf32> to vector<1x16xf32>
      tpu.vector_store %arg11[%swap3A_84, %swap3A_85], %swap3A_88 {strides = array<i32>} : memref<80x128xf32, #tpu.memory_space<vmem>>, vector<1x16xf32>,
      %broadcast_in_dim3A_89 = arith.constant 0.000000e+00 : f32
      %broadcast_in_dim3A_90 = vector.broadcast %broadcast_in_dim3A_89 : f32 to vector<16xf32>
      %swap3A_91 = arith.index_cast %scan3A_47 : i32 to index
      %swap3A_92 = arith.constant 96 : index
      %swap3A_93 = tpu.vector_load %arg11[%swap3A_91, %swap3A_92] {strides = array<i32>} : memref<80x128xf32, #tpu.memory_space<vmem>>, vector<1x16xf32>,
      %swap3A_94 = vector.shape_cast %swap3A_93 : vector<1x16xf32> to vector<16xf32>
      %swap3A_95 = vector.shape_cast %broadcast_in_dim3A_90 : vector<16xf32> to vector<1x16xf32>
      tpu.vector_store %arg11[%swap3A_91, %swap3A_92], %swap3A_95 {strides = array<i32>} : memref<80x128xf32, #tpu.memory_space<vmem>>, vector<1x16xf32>,
      %broadcast_in_dim3A_96 = arith.constant 0.000000e+00 : f32
      %broadcast_in_dim3A_97 = vector.broadcast %broadcast_in_dim3A_96 : f32 to vector<16xf32>
      %swap3A_98 = arith.index_cast %scan3A_47 : i32 to index
      %swap3A_99 = arith.constant 112 : index
      %swap3A_100 = tpu.vector_load %arg11[%swap3A_98, %swap3A_99] {strides = array<i32>} : memref<80x128xf32, #tpu.memory_space<vmem>>, vector<1x16xf32>,
      %swap3A_101 = vector.shape_cast %swap3A_100 : vector<1x16xf32> to vector<16xf32>
      %swap3A_102 = vector.shape_cast %broadcast_in_dim3A_97 : vector<16xf32> to vector<1x16xf32>
      tpu.vector_store %arg11[%swap3A_98, %swap3A_99], %swap3A_102 {strides = array<i32>} : memref<80x128xf32, #tpu.memory_space<vmem>>, vector<1x16xf32>,
      %scan3A_103 = arith.constant 0 : i32
      scf.yield %scan3A_103 : i32
    }
    %scan3A_5 = arith.constant 80 : i32
    %lt3A = arith.constant 13 : i32
    %lt3A_6 = arith.cmpi slt, %arg1, %lt3A : i32
    %jit3A = arith.constant 8 : i32
    %jit3A_7 = arith.constant 7 : i32
    %select_n3A = arith.select %lt3A_6, %jit3A, %jit3A_7 : i32
    %while3A = arith.constant 0 : i32
    %while3A_8 = arith.constant 0 : i32
    %while3A_9 = arith.subi %select_n3A, %while3A : i32
    %while3A_10 = arith.addi %while3A, %while3A_9 : i32
    %while3A_11 = arith.constant 1 : i32
    %while3A_12 = arith.divsi %while3A_9, %while3A_11 : i32
    %while3A_13 = arith.muli %while3A_12, %while3A_11 : i32
    %while3A_14 = arith.addi %while3A, %while3A_13 : i32
    %while3A_15 = arith.constant 1 : i32
    %while3A_16 = scf.for %while3A_47 = %while3A to %while3A_14 step %while3A_15 iter_args(%while3A_48 = %while3A_8) -> (i32)  : i32 {
      %mul3A_49 = arith.constant 16 : i32
      %mul3A_50 = arith.muli %mul3A_49, %while3A_47 : i32
      %add3A = arith.addi %arg1, %mul3A_50 : i32
      %mul3A_51 = arith.constant 80 : i32
      %mul3A_52 = arith.muli %add3A, %mul3A_51 : i32
      %multiple_of3A = tpu.assume_multiple %mul3A_52, 8 : i32
      "tpu.region"() ({
        %run_scoped3A = tpu.sem_alloc : memref<!tpu.dma_semaphore, #tpu.memory_space<semaphore_mem>>
        %dma_start3A = arith.constant 0 : i32
        %dma_start3A_54 = tpu.memref_slice %arg7[%multiple_of3A, %dma_start3A] : memref<10000x128xf32, #tpu.memory_space<vmem_shared>> -> memref<80x128xf32, #tpu.memory_space<vmem_shared>>
        %dma_start3A_55 = arith.constant 0 : i32
        %dma_start3A_56 = tpu.memref_slice %arg7[%multiple_of3A, %dma_start3A_55] : memref<10000x128xf32, #tpu.memory_space<vmem_shared>> -> memref<80x128xf32, #tpu.memory_space<vmem_shared>>
        tpu.enqueue_dma source(%arg11 : memref<80x128xf32, #tpu.memory_space<vmem>>) target(%dma_start3A_56 : memref<80x128xf32, #tpu.memory_space<vmem_shared>>) target_semaphore(%run_scoped3A : memref<!tpu.dma_semaphore, #tpu.memory_space<semaphore_mem>>)
        %dma_wait3A = arith.constant 0 : i32
        %dma_wait3A_57 = tpu.memref_slice %arg7[%multiple_of3A, %dma_wait3A] : memref<10000x128xf32, #tpu.memory_space<vmem_shared>> -> memref<80x128xf32, #tpu.memory_space<vmem_shared>>
        %dma_wait3A_58 = arith.constant 0 : i32
        %dma_wait3A_59 = tpu.memref_slice %arg7[%multiple_of3A, %dma_wait3A_58] : memref<10000x128xf32, #tpu.memory_space<vmem_shared>> -> memref<80x128xf32, #tpu.memory_space<vmem_shared>>
        tpu.wait_dma2 semaphore(%run_scoped3A : memref<!tpu.dma_semaphore, #tpu.memory_space<semaphore_mem>>) src(%arg11 : memref<80x128xf32, #tpu.memory_space<vmem>>) dst(%dma_wait3A_59 : memref<80x128xf32, #tpu.memory_space<vmem_shared>>)
        tpu.yield
      }) : () -> ()
      %while3A_53 = arith.constant 0 : i32
      scf.yield %while3A_53 : i32
    }
    %while3A_17 = arith.constant 1 : i32
    %while3A_18 = scf.for %while3A_47 = %while3A_14 to %while3A_10 step %while3A_17 iter_args(%while3A_48 = %while3A_16) -> (i32)  : i32 {
      %mul3A_49 = arith.constant 16 : i32
      %mul3A_50 = arith.muli %mul3A_49, %while3A_47 : i32
      %add3A = arith.addi %arg1, %mul3A_50 : i32
      %mul3A_51 = arith.constant 80 : i32
      %mul3A_52 = arith.muli %add3A, %mul3A_51 : i32
      %multiple_of3A = tpu.assume_multiple %mul3A_52, 8 : i32
      "tpu.region"() ({
        %run_scoped3A = tpu.sem_alloc : memref<!tpu.dma_semaphore, #tpu.memory_space<semaphore_mem>>
        %dma_start3A = arith.constant 0 : i32
        %dma_start3A_54 = tpu.memref_slice %arg7[%multiple_of3A, %dma_start3A] : memref<10000x128xf32, #tpu.memory_space<vmem_shared>> -> memref<80x128xf32, #tpu.memory_space<vmem_shared>>
        %dma_start3A_55 = arith.constant 0 : i32
        %dma_start3A_56 = tpu.memref_slice %arg7[%multiple_of3A, %dma_start3A_55] : memref<10000x128xf32, #tpu.memory_space<vmem_shared>> -> memref<80x128xf32, #tpu.memory_space<vmem_shared>>
        tpu.enqueue_dma source(%arg11 : memref<80x128xf32, #tpu.memory_space<vmem>>) target(%dma_start3A_56 : memref<80x128xf32, #tpu.memory_space<vmem_shared>>) target_semaphore(%run_scoped3A : memref<!tpu.dma_semaphore, #tpu.memory_space<semaphore_mem>>)
        %dma_wait3A = arith.constant 0 : i32
        %dma_wait3A_57 = tpu.memref_slice %arg7[%multiple_of3A, %dma_wait3A] : memref<10000x128xf32, #tpu.memory_space<vmem_shared>> -> memref<80x128xf32, #tpu.memory_space<vmem_shared>>
        %dma_wait3A_58 = arith.constant 0 : i32
        %dma_wait3A_59 = tpu.memref_slice %arg7[%multiple_of3A, %dma_wait3A_58] : memref<10000x128xf32, #tpu.memory_space<vmem_shared>> -> memref<80x128xf32, #tpu.memory_space<vmem_shared>>
        tpu.wait_dma2 semaphore(%run_scoped3A : memref<!tpu.dma_semaphore, #tpu.memory_space<semaphore_mem>>) src(%arg11 : memref<80x128xf32, #tpu.memory_space<vmem>>) dst(%dma_wait3A_59 : memref<80x128xf32, #tpu.memory_space<vmem_shared>>)
        tpu.yield
      }) : () -> ()
      %while3A_53 = arith.constant 0 : i32
      scf.yield %while3A_53 : i32
    }
    %barrier3A = arith.constant 0 : index
    tpu.barrier barrier_id(%barrier3A)
    %mul3A = arith.constant 10000 : i32
    %mul3A_19 = arith.muli %arg0, %mul3A : i32
    %mul3A_20 = arith.constant 20000 : i32
    %mul3A_21 = arith.muli %arg1, %mul3A_20 : i32
    %scan3A_22 = arith.constant 0 : i32
    %scan3A_23 = arith.constant 0 : i32
    %scan3A_24 = arith.constant 250 : i32
    %scan3A_25 = arith.addi %scan3A_23, %scan3A_24 : i32
    %scan3A_26 = arith.constant 1 : i32
    %scan3A_27 = scf.for %scan3A_47 = %scan3A_23 to %scan3A_25 step %scan3A_26 iter_args(%scan3A_48 = %scan3A_22) -> (i32)  : i32 {
      %mul3A_49 = arith.constant 80 : i32
      %mul3A_50 = arith.muli %scan3A_47, %mul3A_49 : i32
      %add3A = arith.addi %mul3A_21, %mul3A_50 : i32
      %multiple_of3A = tpu.assume_multiple %add3A, 8 : i32
      "tpu.region"() ({
        %run_scoped3A = tpu.sem_alloc : memref<!tpu.dma_semaphore, #tpu.memory_space<semaphore_mem>>
        %dma_start3A_106 = tpu.memref_slice %arg3[%multiple_of3A] : memref<320000xi32, #tpu.memory_space<hbm>> -> memref<80xi32, #tpu.memory_space<hbm>>
        %dma_start3A_107 = tpu.memref_slice %arg3[%multiple_of3A] : memref<320000xi32, #tpu.memory_space<hbm>> -> memref<80xi32, #tpu.memory_space<hbm>>
        tpu.enqueue_dma source(%dma_start3A_107 : memref<80xi32, #tpu.memory_space<hbm>>) target(%arg8 : memref<80xi32, #tpu.memory_space<vmem>>) target_semaphore(%run_scoped3A : memref<!tpu.dma_semaphore, #tpu.memory_space<semaphore_mem>>)
        %dma_wait3A_108 = tpu.memref_slice %arg3[%multiple_of3A] : memref<320000xi32, #tpu.memory_space<hbm>> -> memref<80xi32, #tpu.memory_space<hbm>>
        %dma_wait3A_109 = tpu.memref_slice %arg3[%multiple_of3A] : memref<320000xi32, #tpu.memory_space<hbm>> -> memref<80xi32, #tpu.memory_space<hbm>>
        tpu.wait_dma2 semaphore(%run_scoped3A : memref<!tpu.dma_semaphore, #tpu.memory_space<semaphore_mem>>) src(%dma_wait3A_109 : memref<80xi32, #tpu.memory_space<hbm>>) dst(%arg8 : memref<80xi32, #tpu.memory_space<vmem>>)
        tpu.yield
      }) : () -> ()
      "tpu.region"() ({
        %run_scoped3A = tpu.sem_alloc : memref<!tpu.dma_semaphore, #tpu.memory_space<semaphore_mem>>
        %dma_start3A_106 = tpu.memref_slice %arg4[%multiple_of3A] : memref<320000xi32, #tpu.memory_space<hbm>> -> memref<80xi32, #tpu.memory_space<hbm>>
        %dma_start3A_107 = tpu.memref_slice %arg4[%multiple_of3A] : memref<320000xi32, #tpu.memory_space<hbm>> -> memref<80xi32, #tpu.memory_space<hbm>>
        tpu.enqueue_dma source(%dma_start3A_107 : memref<80xi32, #tpu.memory_space<hbm>>) target(%arg9 : memref<80xi32, #tpu.memory_space<vmem>>) target_semaphore(%run_scoped3A : memref<!tpu.dma_semaphore, #tpu.memory_space<semaphore_mem>>)
        %dma_wait3A_108 = tpu.memref_slice %arg4[%multiple_of3A] : memref<320000xi32, #tpu.memory_space<hbm>> -> memref<80xi32, #tpu.memory_space<hbm>>
        %dma_wait3A_109 = tpu.memref_slice %arg4[%multiple_of3A] : memref<320000xi32, #tpu.memory_space<hbm>> -> memref<80xi32, #tpu.memory_space<hbm>>
        tpu.wait_dma2 semaphore(%run_scoped3A : memref<!tpu.dma_semaphore, #tpu.memory_space<semaphore_mem>>) src(%dma_wait3A_109 : memref<80xi32, #tpu.memory_space<hbm>>) dst(%arg9 : memref<80xi32, #tpu.memory_space<vmem>>)
        tpu.yield
      }) : () -> ()
      "tpu.region"() ({
        %run_scoped3A = tpu.sem_alloc : memref<!tpu.dma_semaphore, #tpu.memory_space<semaphore_mem>>
        %dma_start3A_106 = arith.constant 0 : i32
        %dma_start3A_107 = tpu.memref_slice %arg5[%multiple_of3A, %dma_start3A_106] : memref<320000x16xf32, #tpu.memory_space<hbm>> -> memref<80x16xf32, #tpu.memory_space<hbm>>
        %dma_start3A_108 = arith.constant 0 : i32
        %dma_start3A_109 = tpu.memref_slice %arg5[%multiple_of3A, %dma_start3A_108] : memref<320000x16xf32, #tpu.memory_space<hbm>> -> memref<80x16xf32, #tpu.memory_space<hbm>>
        tpu.enqueue_dma source(%dma_start3A_109 : memref<80x16xf32, #tpu.memory_space<hbm>>) target(%arg10 : memref<80x16xf32, #tpu.memory_space<vmem>>) target_semaphore(%run_scoped3A : memref<!tpu.dma_semaphore, #tpu.memory_space<semaphore_mem>>)
        %dma_wait3A_110 = arith.constant 0 : i32
        %dma_wait3A_111 = tpu.memref_slice %arg5[%multiple_of3A, %dma_wait3A_110] : memref<320000x16xf32, #tpu.memory_space<hbm>> -> memref<80x16xf32, #tpu.memory_space<hbm>>
        %dma_wait3A_112 = arith.constant 0 : i32
        %dma_wait3A_113 = tpu.memref_slice %arg5[%multiple_of3A, %dma_wait3A_112] : memref<320000x16xf32, #tpu.memory_space<hbm>> -> memref<80x16xf32, #tpu.memory_space<hbm>>
        tpu.wait_dma2 semaphore(%run_scoped3A : memref<!tpu.dma_semaphore, #tpu.memory_space<semaphore_mem>>) src(%dma_wait3A_113 : memref<80x16xf32, #tpu.memory_space<hbm>>) dst(%arg10 : memref<80x16xf32, #tpu.memory_space<vmem>>)
        tpu.yield
      }) : () -> ()
      %get3A = arith.constant 0 : index
      %get3A_51 = tpu.vector_load %arg8[%get3A] {strides = array<i32>} : memref<80xi32, #tpu.memory_space<vmem>>, vector<16xi32>,
      %get3A_52 = vector.shape_cast %get3A_51 : vector<16xi32> to vector<16xi32>
      %add3A_53 = vector.broadcast %mul3A_19 : i32 to vector<16xi32>
      %add3A_54 = arith.addi %get3A_52, %add3A_53 : vector<16xi32>
      %swap3A = arith.constant 0 : index
      %swap3A_55 = tpu.vector_load %arg8[%swap3A] {strides = array<i32>} : memref<80xi32, #tpu.memory_space<vmem>>, vector<16xi32>,
      %swap3A_56 = vector.shape_cast %swap3A_55 : vector<16xi32> to vector<16xi32>
      %swap3A_57 = vector.shape_cast %add3A_54 : vector<16xi32> to vector<16xi32>
      tpu.vector_store %arg8[%swap3A], %swap3A_57 {strides = array<i32>} : memref<80xi32, #tpu.memory_space<vmem>>, vector<16xi32>,
      %get3A_58 = arith.constant 16 : index
      %get3A_59 = tpu.vector_load %arg8[%get3A_58] {strides = array<i32>} : memref<80xi32, #tpu.memory_space<vmem>>, vector<16xi32>,
      %get3A_60 = vector.shape_cast %get3A_59 : vector<16xi32> to vector<16xi32>
      %add3A_61 = vector.broadcast %mul3A_19 : i32 to vector<16xi32>
      %add3A_62 = arith.addi %get3A_60, %add3A_61 : vector<16xi32>
      %swap3A_63 = arith.constant 16 : index
      %swap3A_64 = tpu.vector_load %arg8[%swap3A_63] {strides = array<i32>} : memref<80xi32, #tpu.memory_space<vmem>>, vector<16xi32>,
      %swap3A_65 = vector.shape_cast %swap3A_64 : vector<16xi32> to vector<16xi32>
      %swap3A_66 = vector.shape_cast %add3A_62 : vector<16xi32> to vector<16xi32>
      tpu.vector_store %arg8[%swap3A_63], %swap3A_66 {strides = array<i32>} : memref<80xi32, #tpu.memory_space<vmem>>, vector<16xi32>,
      %get3A_67 = arith.constant 32 : index
      %get3A_68 = tpu.vector_load %arg8[%get3A_67] {strides = array<i32>} : memref<80xi32, #tpu.memory_space<vmem>>, vector<16xi32>,
      %get3A_69 = vector.shape_cast %get3A_68 : vector<16xi32> to vector<16xi32>
      %add3A_70 = vector.broadcast %mul3A_19 : i32 to vector<16xi32>
      %add3A_71 = arith.addi %get3A_69, %add3A_70 : vector<16xi32>
      %swap3A_72 = arith.constant 32 : index
      %swap3A_73 = tpu.vector_load %arg8[%swap3A_72] {strides = array<i32>} : memref<80xi32, #tpu.memory_space<vmem>>, vector<16xi32>,
      %swap3A_74 = vector.shape_cast %swap3A_73 : vector<16xi32> to vector<16xi32>
      %swap3A_75 = vector.shape_cast %add3A_71 : vector<16xi32> to vector<16xi32>
      tpu.vector_store %arg8[%swap3A_72], %swap3A_75 {strides = array<i32>} : memref<80xi32, #tpu.memory_space<vmem>>, vector<16xi32>,
      %get3A_76 = arith.constant 48 : index
      %get3A_77 = tpu.vector_load %arg8[%get3A_76] {strides = array<i32>} : memref<80xi32, #tpu.memory_space<vmem>>, vector<16xi32>,
      %get3A_78 = vector.shape_cast %get3A_77 : vector<16xi32> to vector<16xi32>
      %add3A_79 = vector.broadcast %mul3A_19 : i32 to vector<16xi32>
      %add3A_80 = arith.addi %get3A_78, %add3A_79 : vector<16xi32>
      %swap3A_81 = arith.constant 48 : index
      %swap3A_82 = tpu.vector_load %arg8[%swap3A_81] {strides = array<i32>} : memref<80xi32, #tpu.memory_space<vmem>>, vector<16xi32>,
      %swap3A_83 = vector.shape_cast %swap3A_82 : vector<16xi32> to vector<16xi32>
      %swap3A_84 = vector.shape_cast %add3A_80 : vector<16xi32> to vector<16xi32>
      tpu.vector_store %arg8[%swap3A_81], %swap3A_84 {strides = array<i32>} : memref<80xi32, #tpu.memory_space<vmem>>, vector<16xi32>,
      %get3A_85 = arith.constant 64 : index
      %get3A_86 = tpu.vector_load %arg8[%get3A_85] {strides = array<i32>} : memref<80xi32, #tpu.memory_space<vmem>>, vector<16xi32>,
      %get3A_87 = vector.shape_cast %get3A_86 : vector<16xi32> to vector<16xi32>
      %add3A_88 = vector.broadcast %mul3A_19 : i32 to vector<16xi32>
      %add3A_89 = arith.addi %get3A_87, %add3A_88 : vector<16xi32>
      %swap3A_90 = arith.constant 64 : index
      %swap3A_91 = tpu.vector_load %arg8[%swap3A_90] {strides = array<i32>} : memref<80xi32, #tpu.memory_space<vmem>>, vector<16xi32>,
      %swap3A_92 = vector.shape_cast %swap3A_91 : vector<16xi32> to vector<16xi32>
      %swap3A_93 = vector.shape_cast %add3A_89 : vector<16xi32> to vector<16xi32>
      tpu.vector_store %arg8[%swap3A_90], %swap3A_93 {strides = array<i32>} : memref<80xi32, #tpu.memory_space<vmem>>, vector<16xi32>,
      %dma_start3A = arith.constant 0 : i32
      %dma_start3A_94 = arith.constant 0 : i32
      %dma_start3A_95 = tpu.memref_slice %arg2[%dma_start3A, %dma_start3A_94] : memref<20000x128xf32, #tpu.memory_space<hbm>> -> memref<20000x128xf32, #tpu.memory_space<hbm>>
      tpu.enqueue_indirect_dma source(%dma_start3A_95 : memref<20000x128xf32, #tpu.memory_space<hbm>>) target(%arg11 : memref<80x128xf32, #tpu.memory_space<vmem>>) offsets(%arg8 : memref<80xi32, #tpu.memory_space<vmem>>) semaphore(%arg12 : memref<!tpu.dma_semaphore, #tpu.memory_space<semaphore_mem>>)
      %dma_wait3A = arith.constant 0 : i32
      %dma_wait3A_96 = arith.constant 0 : i32
      %dma_wait3A_97 = tpu.memref_slice %arg2[%dma_wait3A, %dma_wait3A_96] : memref<20000x128xf32, #tpu.memory_space<hbm>> -> memref<20000x128xf32, #tpu.memory_space<hbm>>
      tpu.wait_indirect_dma semaphore(%arg12 : memref<!tpu.dma_semaphore, #tpu.memory_space<semaphore_mem>>) src(%dma_wait3A_97 : memref<20000x128xf32, #tpu.memory_space<hbm>>) dst(%arg11 : memref<80x128xf32, #tpu.memory_space<vmem>>)
      %scan3A_98 = arith.constant 0 : i32
      %scan3A_99 = arith.constant 0 : i32
      %scan3A_100 = arith.constant 80 : i32
      %scan3A_101 = arith.addi %scan3A_99, %scan3A_100 : i32
      %scan3A_102 = arith.constant 1 : i32
      %scan3A_103 = scf.for %scan3A_106 = %scan3A_99 to %scan3A_101 step %scan3A_102 iter_args(%scan3A_107 = %scan3A_98) -> (i32)  : i32 {
        %get3A_108 = arith.index_cast %scan3A_106 : i32 to index
        %get3A_109 = arith.constant 0 : index
        %get3A_110 = tpu.vector_load %arg10[%get3A_108, %get3A_109] {strides = array<i32>} : memref<80x16xf32, #tpu.memory_space<vmem>>, vector<1x16xf32>,
        %get3A_111 = vector.shape_cast %get3A_110 : vector<1x16xf32> to vector<16xf32>
        %get3A_112 = arith.index_cast %scan3A_106 : i32 to index
        %get3A_113 = arith.constant 0 : index
        %get3A_114 = tpu.vector_load %arg11[%get3A_112, %get3A_113] {strides = array<i32>} : memref<80x128xf32, #tpu.memory_space<vmem>>, vector<1x16xf32>,
        %get3A_115 = vector.shape_cast %get3A_114 : vector<1x16xf32> to vector<16xf32>
        %mul3A_116 = arith.mulf %get3A_115, %get3A_111 : vector<16xf32>
        %swap3A_117 = arith.index_cast %scan3A_106 : i32 to index
        %swap3A_118 = arith.constant 0 : index
        %swap3A_119 = tpu.vector_load %arg11[%swap3A_117, %swap3A_118] {strides = array<i32>} : memref<80x128xf32, #tpu.memory_space<vmem>>, vector<1x16xf32>,
        %swap3A_120 = vector.shape_cast %swap3A_119 : vector<1x16xf32> to vector<16xf32>
        %swap3A_121 = vector.shape_cast %mul3A_116 : vector<16xf32> to vector<1x16xf32>
        tpu.vector_store %arg11[%swap3A_117, %swap3A_118], %swap3A_121 {strides = array<i32>} : memref<80x128xf32, #tpu.memory_space<vmem>>, vector<1x16xf32>,
        %get3A_122 = arith.index_cast %scan3A_106 : i32 to index
        %get3A_123 = arith.constant 16 : index
        %get3A_124 = tpu.vector_load %arg11[%get3A_122, %get3A_123] {strides = array<i32>} : memref<80x128xf32, #tpu.memory_space<vmem>>, vector<1x16xf32>,
        %get3A_125 = vector.shape_cast %get3A_124 : vector<1x16xf32> to vector<16xf32>
        %mul3A_126 = arith.mulf %get3A_125, %get3A_111 : vector<16xf32>
        %swap3A_127 = arith.index_cast %scan3A_106 : i32 to index
        %swap3A_128 = arith.constant 16 : index
        %swap3A_129 = tpu.vector_load %arg11[%swap3A_127, %swap3A_128] {strides = array<i32>} : memref<80x128xf32, #tpu.memory_space<vmem>>, vector<1x16xf32>,
        %swap3A_130 = vector.shape_cast %swap3A_129 : vector<1x16xf32> to vector<16xf32>
        %swap3A_131 = vector.shape_cast %mul3A_126 : vector<16xf32> to vector<1x16xf32>
        tpu.vector_store %arg11[%swap3A_127, %swap3A_128], %swap3A_131 {strides = array<i32>} : memref<80x128xf32, #tpu.memory_space<vmem>>, vector<1x16xf32>,
        %get3A_132 = arith.index_cast %scan3A_106 : i32 to index
        %get3A_133 = arith.constant 32 : index
        %get3A_134 = tpu.vector_load %arg11[%get3A_132, %get3A_133] {strides = array<i32>} : memref<80x128xf32, #tpu.memory_space<vmem>>, vector<1x16xf32>,
        %get3A_135 = vector.shape_cast %get3A_134 : vector<1x16xf32> to vector<16xf32>
        %mul3A_136 = arith.mulf %get3A_135, %get3A_111 : vector<16xf32>
        %swap3A_137 = arith.index_cast %scan3A_106 : i32 to index
        %swap3A_138 = arith.constant 32 : index
        %swap3A_139 = tpu.vector_load %arg11[%swap3A_137, %swap3A_138] {strides = array<i32>} : memref<80x128xf32, #tpu.memory_space<vmem>>, vector<1x16xf32>,
        %swap3A_140 = vector.shape_cast %swap3A_139 : vector<1x16xf32> to vector<16xf32>
        %swap3A_141 = vector.shape_cast %mul3A_136 : vector<16xf32> to vector<1x16xf32>
        tpu.vector_store %arg11[%swap3A_137, %swap3A_138], %swap3A_141 {strides = array<i32>} : memref<80x128xf32, #tpu.memory_space<vmem>>, vector<1x16xf32>,
        %get3A_142 = arith.index_cast %scan3A_106 : i32 to index
        %get3A_143 = arith.constant 48 : index
        %get3A_144 = tpu.vector_load %arg11[%get3A_142, %get3A_143] {strides = array<i32>} : memref<80x128xf32, #tpu.memory_space<vmem>>, vector<1x16xf32>,
        %get3A_145 = vector.shape_cast %get3A_144 : vector<1x16xf32> to vector<16xf32>
        %mul3A_146 = arith.mulf %get3A_145, %get3A_111 : vector<16xf32>
        %swap3A_147 = arith.index_cast %scan3A_106 : i32 to index
        %swap3A_148 = arith.constant 48 : index
        %swap3A_149 = tpu.vector_load %arg11[%swap3A_147, %swap3A_148] {strides = array<i32>} : memref<80x128xf32, #tpu.memory_space<vmem>>, vector<1x16xf32>,
        %swap3A_150 = vector.shape_cast %swap3A_149 : vector<1x16xf32> to vector<16xf32>
        %swap3A_151 = vector.shape_cast %mul3A_146 : vector<16xf32> to vector<1x16xf32>
        tpu.vector_store %arg11[%swap3A_147, %swap3A_148], %swap3A_151 {strides = array<i32>} : memref<80x128xf32, #tpu.memory_space<vmem>>, vector<1x16xf32>,
        %get3A_152 = arith.index_cast %scan3A_106 : i32 to index
        %get3A_153 = arith.constant 64 : index
        %get3A_154 = tpu.vector_load %arg11[%get3A_152, %get3A_153] {strides = array<i32>} : memref<80x128xf32, #tpu.memory_space<vmem>>, vector<1x16xf32>,
        %get3A_155 = vector.shape_cast %get3A_154 : vector<1x16xf32> to vector<16xf32>
        %mul3A_156 = arith.mulf %get3A_155, %get3A_111 : vector<16xf32>
        %swap3A_157 = arith.index_cast %scan3A_106 : i32 to index
        %swap3A_158 = arith.constant 64 : index
        %swap3A_159 = tpu.vector_load %arg11[%swap3A_157, %swap3A_158] {strides = array<i32>} : memref<80x128xf32, #tpu.memory_space<vmem>>, vector<1x16xf32>,
        %swap3A_160 = vector.shape_cast %swap3A_159 : vector<1x16xf32> to vector<16xf32>
        %swap3A_161 = vector.shape_cast %mul3A_156 : vector<16xf32> to vector<1x16xf32>
        tpu.vector_store %arg11[%swap3A_157, %swap3A_158], %swap3A_161 {strides = array<i32>} : memref<80x128xf32, #tpu.memory_space<vmem>>, vector<1x16xf32>,
        %get3A_162 = arith.index_cast %scan3A_106 : i32 to index
        %get3A_163 = arith.constant 80 : index
        %get3A_164 = tpu.vector_load %arg11[%get3A_162, %get3A_163] {strides = array<i32>} : memref<80x128xf32, #tpu.memory_space<vmem>>, vector<1x16xf32>,
        %get3A_165 = vector.shape_cast %get3A_164 : vector<1x16xf32> to vector<16xf32>
        %mul3A_166 = arith.mulf %get3A_165, %get3A_111 : vector<16xf32>
        %swap3A_167 = arith.index_cast %scan3A_106 : i32 to index
        %swap3A_168 = arith.constant 80 : index
        %swap3A_169 = tpu.vector_load %arg11[%swap3A_167, %swap3A_168] {strides = array<i32>} : memref<80x128xf32, #tpu.memory_space<vmem>>, vector<1x16xf32>,
        %swap3A_170 = vector.shape_cast %swap3A_169 : vector<1x16xf32> to vector<16xf32>
        %swap3A_171 = vector.shape_cast %mul3A_166 : vector<16xf32> to vector<1x16xf32>
        tpu.vector_store %arg11[%swap3A_167, %swap3A_168], %swap3A_171 {strides = array<i32>} : memref<80x128xf32, #tpu.memory_space<vmem>>, vector<1x16xf32>,
        %get3A_172 = arith.index_cast %scan3A_106 : i32 to index
        %get3A_173 = arith.constant 96 : index
        %get3A_174 = tpu.vector_load %arg11[%get3A_172, %get3A_173] {strides = array<i32>} : memref<80x128xf32, #tpu.memory_space<vmem>>, vector<1x16xf32>,
        %get3A_175 = vector.shape_cast %get3A_174 : vector<1x16xf32> to vector<16xf32>
        %mul3A_176 = arith.mulf %get3A_175, %get3A_111 : vector<16xf32>
        %swap3A_177 = arith.index_cast %scan3A_106 : i32 to index
        %swap3A_178 = arith.constant 96 : index
        %swap3A_179 = tpu.vector_load %arg11[%swap3A_177, %swap3A_178] {strides = array<i32>} : memref<80x128xf32, #tpu.memory_space<vmem>>, vector<1x16xf32>,
        %swap3A_180 = vector.shape_cast %swap3A_179 : vector<1x16xf32> to vector<16xf32>
        %swap3A_181 = vector.shape_cast %mul3A_176 : vector<16xf32> to vector<1x16xf32>
        tpu.vector_store %arg11[%swap3A_177, %swap3A_178], %swap3A_181 {strides = array<i32>} : memref<80x128xf32, #tpu.memory_space<vmem>>, vector<1x16xf32>,
        %get3A_182 = arith.index_cast %scan3A_106 : i32 to index
        %get3A_183 = arith.constant 112 : index
        %get3A_184 = tpu.vector_load %arg11[%get3A_182, %get3A_183] {strides = array<i32>} : memref<80x128xf32, #tpu.memory_space<vmem>>, vector<1x16xf32>,
        %get3A_185 = vector.shape_cast %get3A_184 : vector<1x16xf32> to vector<16xf32>
        %mul3A_186 = arith.mulf %get3A_185, %get3A_111 : vector<16xf32>
        %swap3A_187 = arith.index_cast %scan3A_106 : i32 to index
        %swap3A_188 = arith.constant 112 : index
        %swap3A_189 = tpu.vector_load %arg11[%swap3A_187, %swap3A_188] {strides = array<i32>} : memref<80x128xf32, #tpu.memory_space<vmem>>, vector<1x16xf32>,
        %swap3A_190 = vector.shape_cast %swap3A_189 : vector<1x16xf32> to vector<16xf32>
        %swap3A_191 = vector.shape_cast %mul3A_186 : vector<16xf32> to vector<1x16xf32>
        tpu.vector_store %arg11[%swap3A_187, %swap3A_188], %swap3A_191 {strides = array<i32>} : memref<80x128xf32, #tpu.memory_space<vmem>>, vector<1x16xf32>,
        %scan3A_192 = arith.constant 0 : i32
        scf.yield %scan3A_192 : i32
      }
      %scan3A_104 = arith.constant 80 : i32
      "tpu.region"() ({
        %run_scoped3A = tpu.sem_alloc : memref<!tpu.dma_semaphore, #tpu.memory_space<semaphore_mem>>
        %dma_start3A_106 = arith.constant 0 : i32
        %dma_start3A_107 = arith.constant 0 : i32
        %dma_start3A_108 = tpu.memref_slice %arg7[%dma_start3A_106, %dma_start3A_107] : memref<10000x128xf32, #tpu.memory_space<vmem_shared>> -> memref<10000x128xf32, #tpu.memory_space<vmem_shared>>
        tpu.enqueue_indirect_dma source(%arg11 : memref<80x128xf32, #tpu.memory_space<vmem>>) target(%dma_start3A_108 : memref<10000x128xf32, #tpu.memory_space<vmem_shared>>) offsets(%arg9 : memref<80xi32, #tpu.memory_space<vmem>>) semaphore(%run_scoped3A : memref<!tpu.dma_semaphore, #tpu.memory_space<semaphore_mem>>) {add = true}
        %dma_wait3A_109 = arith.constant 0 : i32
        %dma_wait3A_110 = arith.constant 0 : i32
        %dma_wait3A_111 = tpu.memref_slice %arg7[%dma_wait3A_109, %dma_wait3A_110] : memref<10000x128xf32, #tpu.memory_space<vmem_shared>> -> memref<10000x128xf32, #tpu.memory_space<vmem_shared>>
        tpu.wait_indirect_dma semaphore(%run_scoped3A : memref<!tpu.dma_semaphore, #tpu.memory_space<semaphore_mem>>) src(%arg11 : memref<80x128xf32, #tpu.memory_space<vmem>>) dst(%dma_wait3A_111 : memref<10000x128xf32, #tpu.memory_space<vmem_shared>>)
        tpu.yield
      }) : () -> ()
      %scan3A_105 = arith.constant 0 : i32
      scf.yield %scan3A_105 : i32
    }
    %scan3A_28 = arith.constant 250 : i32
    %barrier3A_29 = arith.constant 0 : index
    tpu.barrier barrier_id(%barrier3A_29)
    %lt3A_30 = arith.constant 13 : i32
    %lt3A_31 = arith.cmpi slt, %arg1, %lt3A_30 : i32
    %jit3A_32 = arith.constant 8 : i32
    %jit3A_33 = arith.constant 7 : i32
    %select_n3A_34 = arith.select %lt3A_31, %jit3A_32, %jit3A_33 : i32
    %while3A_35 = arith.constant 0 : i32
    %while3A_36 = arith.constant 0 : i32
    %while3A_37 = arith.subi %select_n3A_34, %while3A_35 : i32
    %while3A_38 = arith.addi %while3A_35, %while3A_37 : i32
    %while3A_39 = arith.constant 1 : i32
    %while3A_40 = arith.divsi %while3A_37, %while3A_39 : i32
    %while3A_41 = arith.muli %while3A_40, %while3A_39 : i32
    %while3A_42 = arith.addi %while3A_35, %while3A_41 : i32
    %while3A_43 = arith.constant 1 : i32
    %while3A_44 = scf.for %while3A_47 = %while3A_35 to %while3A_42 step %while3A_43 iter_args(%while3A_48 = %while3A_36) -> (i32)  : i32 {
      %mul3A_49 = arith.constant 16 : i32
      %mul3A_50 = arith.muli %mul3A_49, %while3A_47 : i32
      %add3A = arith.addi %arg1, %mul3A_50 : i32
      %mul3A_51 = arith.constant 80 : i32
      %mul3A_52 = arith.muli %add3A, %mul3A_51 : i32
      %multiple_of3A = tpu.assume_multiple %mul3A_52, 8 : i32
      %add3A_53 = arith.addi %mul3A_19, %multiple_of3A : i32
      %multiple_of3A_54 = tpu.assume_multiple %add3A_53, 8 : i32
      "tpu.region"() ({
        %run_scoped3A = tpu.sem_alloc : memref<!tpu.dma_semaphore, #tpu.memory_space<semaphore_mem>>
        %dma_start3A = arith.constant 0 : i32
        %dma_start3A_56 = tpu.memref_slice %arg6[%multiple_of3A_54, %dma_start3A] : memref<20000x128xf32, #tpu.memory_space<hbm>> -> memref<80x128xf32, #tpu.memory_space<hbm>>
        %dma_start3A_57 = arith.constant 0 : i32
        %dma_start3A_58 = tpu.memref_slice %arg7[%multiple_of3A, %dma_start3A_57] : memref<10000x128xf32, #tpu.memory_space<vmem_shared>> -> memref<80x128xf32, #tpu.memory_space<vmem_shared>>
        tpu.enqueue_dma source(%dma_start3A_58 : memref<80x128xf32, #tpu.memory_space<vmem_shared>>) target(%dma_start3A_56 : memref<80x128xf32, #tpu.memory_space<hbm>>) target_semaphore(%run_scoped3A : memref<!tpu.dma_semaphore, #tpu.memory_space<semaphore_mem>>)
        %dma_wait3A = arith.constant 0 : i32
        %dma_wait3A_59 = tpu.memref_slice %arg6[%multiple_of3A_54, %dma_wait3A] : memref<20000x128xf32, #tpu.memory_space<hbm>> -> memref<80x128xf32, #tpu.memory_space<hbm>>
        %dma_wait3A_60 = arith.constant 0 : i32
        %dma_wait3A_61 = tpu.memref_slice %arg7[%multiple_of3A, %dma_wait3A_60] : memref<10000x128xf32, #tpu.memory_space<vmem_shared>> -> memref<80x128xf32, #tpu.memory_space<vmem_shared>>
        tpu.wait_dma2 semaphore(%run_scoped3A : memref<!tpu.dma_semaphore, #tpu.memory_space<semaphore_mem>>) src(%dma_wait3A_61 : memref<80x128xf32, #tpu.memory_space<vmem_shared>>) dst(%dma_wait3A_59 : memref<80x128xf32, #tpu.memory_space<hbm>>)
        tpu.yield
      }) : () -> ()
      %while3A_55 = arith.constant 0 : i32
      scf.yield %while3A_55 : i32
    }
    %while3A_45 = arith.constant 1 : i32
    %while3A_46 = scf.for %while3A_47 = %while3A_42 to %while3A_38 step %while3A_45 iter_args(%while3A_48 = %while3A_44) -> (i32)  : i32 {
      %mul3A_49 = arith.constant 16 : i32
      %mul3A_50 = arith.muli %mul3A_49, %while3A_47 : i32
      %add3A = arith.addi %arg1, %mul3A_50 : i32
      %mul3A_51 = arith.constant 80 : i32
      %mul3A_52 = arith.muli %add3A, %mul3A_51 : i32
      %multiple_of3A = tpu.assume_multiple %mul3A_52, 8 : i32
      %add3A_53 = arith.addi %mul3A_19, %multiple_of3A : i32
      %multiple_of3A_54 = tpu.assume_multiple %add3A_53, 8 : i32
      "tpu.region"() ({
        %run_scoped3A = tpu.sem_alloc : memref<!tpu.dma_semaphore, #tpu.memory_space<semaphore_mem>>
        %dma_start3A = arith.constant 0 : i32
        %dma_start3A_56 = tpu.memref_slice %arg6[%multiple_of3A_54, %dma_start3A] : memref<20000x128xf32, #tpu.memory_space<hbm>> -> memref<80x128xf32, #tpu.memory_space<hbm>>
        %dma_start3A_57 = arith.constant 0 : i32
        %dma_start3A_58 = tpu.memref_slice %arg7[%multiple_of3A, %dma_start3A_57] : memref<10000x128xf32, #tpu.memory_space<vmem_shared>> -> memref<80x128xf32, #tpu.memory_space<vmem_shared>>
        tpu.enqueue_dma source(%dma_start3A_58 : memref<80x128xf32, #tpu.memory_space<vmem_shared>>) target(%dma_start3A_56 : memref<80x128xf32, #tpu.memory_space<hbm>>) target_semaphore(%run_scoped3A : memref<!tpu.dma_semaphore, #tpu.memory_space<semaphore_mem>>)
        %dma_wait3A = arith.constant 0 : i32
        %dma_wait3A_59 = tpu.memref_slice %arg6[%multiple_of3A_54, %dma_wait3A] : memref<20000x128xf32, #tpu.memory_space<hbm>> -> memref<80x128xf32, #tpu.memory_space<hbm>>
        %dma_wait3A_60 = arith.constant 0 : i32
        %dma_wait3A_61 = tpu.memref_slice %arg7[%multiple_of3A, %dma_wait3A_60] : memref<10000x128xf32, #tpu.memory_space<vmem_shared>> -> memref<80x128xf32, #tpu.memory_space<vmem_shared>>
        tpu.wait_dma2 semaphore(%run_scoped3A : memref<!tpu.dma_semaphore, #tpu.memory_space<semaphore_mem>>) src(%dma_wait3A_61 : memref<80x128xf32, #tpu.memory_space<vmem_shared>>) dst(%dma_wait3A_59 : memref<80x128xf32, #tpu.memory_space<hbm>>)
        tpu.yield
      }) : () -> ()
      %while3A_55 = arith.constant 0 : i32
      scf.yield %while3A_55 : i32
    }
    return
  }
}

#map = affine_map<(d0, d1) -> (0, 0)>
#map1 = affine_map<(d0, d1) -> (0)>
module attributes {stable_mosaic.version = 14 : i64} {
  func.func @agg_kernel(%arg0: i32, %arg1: i32, %arg2: memref<10000x128xf32, #tpu.memory_space<hbm>>, %arg3: memref<320000xi32, #tpu.memory_space<hbm>>, %arg4: memref<320000xi32, #tpu.memory_space<hbm>>, %arg5: memref<320000x16xf32, #tpu.memory_space<hbm>>, %arg6: memref<20000x128xf32, #tpu.memory_space<hbm>>, %arg7: memref<10000x128xf32, #tpu.memory_space<vmem_shared>>, %arg8: memref<80xi32, #tpu.memory_space<vmem>>, %arg9: memref<80xi32, #tpu.memory_space<vmem>>, %arg10: memref<80x16xf32, #tpu.memory_space<vmem>>, %arg11: memref<80x128xf32, #tpu.memory_space<vmem>>, %arg12: memref<!tpu.dma_semaphore, #tpu.memory_space<semaphore_mem>>) attributes {dimension_semantics = [#tpu.dimension_semantics<core_parallel>, #tpu.dimension_semantics<subcore_parallel>], iteration_bounds = array<i64: 2, 16>, scalar_prefetch = 0 : i64, scratch_operands = 6 : i64, tpu.core_type = #tpu.core_type<sc_vector_subcore>, window_params = [{transform_indices = #map}, {transform_indices = #map1}, {transform_indices = #map1}, {transform_indices = #map}, {transform_indices = #map}]} {
    %scan3A = arith.constant 0 : i32
    %scan3A_0 = arith.constant 0 : i32
    %scan3A_1 = arith.constant 80 : i32
    %scan3A_2 = arith.addi %scan3A_0, %scan3A_1 : i32
    %scan3A_3 = arith.constant 1 : i32
    %scan3A_4 = scf.for %scan3A_49 = %scan3A_0 to %scan3A_2 step %scan3A_3 iter_args(%scan3A_50 = %scan3A) -> (i32)  : i32 {
      %broadcast_in_dim3A = arith.constant 0.000000e+00 : f32
      %broadcast_in_dim3A_51 = vector.broadcast %broadcast_in_dim3A : f32 to vector<16xf32>
      %swap3A = arith.index_cast %scan3A_49 : i32 to index
      %swap3A_52 = arith.constant 0 : index
      %swap3A_53 = tpu.vector_load %arg11[%swap3A, %swap3A_52] {strides = array<i32>} : memref<80x128xf32, #tpu.memory_space<vmem>>, vector<1x16xf32>,
      %swap3A_54 = vector.shape_cast %swap3A_53 : vector<1x16xf32> to vector<16xf32>
      %swap3A_55 = vector.shape_cast %broadcast_in_dim3A_51 : vector<16xf32> to vector<1x16xf32>
      tpu.vector_store %arg11[%swap3A, %swap3A_52], %swap3A_55 {strides = array<i32>} : memref<80x128xf32, #tpu.memory_space<vmem>>, vector<1x16xf32>,
      %broadcast_in_dim3A_56 = arith.constant 0.000000e+00 : f32
      %broadcast_in_dim3A_57 = vector.broadcast %broadcast_in_dim3A_56 : f32 to vector<16xf32>
      %swap3A_58 = arith.index_cast %scan3A_49 : i32 to index
      %swap3A_59 = arith.constant 16 : index
      %swap3A_60 = tpu.vector_load %arg11[%swap3A_58, %swap3A_59] {strides = array<i32>} : memref<80x128xf32, #tpu.memory_space<vmem>>, vector<1x16xf32>,
      %swap3A_61 = vector.shape_cast %swap3A_60 : vector<1x16xf32> to vector<16xf32>
      %swap3A_62 = vector.shape_cast %broadcast_in_dim3A_57 : vector<16xf32> to vector<1x16xf32>
      tpu.vector_store %arg11[%swap3A_58, %swap3A_59], %swap3A_62 {strides = array<i32>} : memref<80x128xf32, #tpu.memory_space<vmem>>, vector<1x16xf32>,
      %broadcast_in_dim3A_63 = arith.constant 0.000000e+00 : f32
      %broadcast_in_dim3A_64 = vector.broadcast %broadcast_in_dim3A_63 : f32 to vector<16xf32>
      %swap3A_65 = arith.index_cast %scan3A_49 : i32 to index
      %swap3A_66 = arith.constant 32 : index
      %swap3A_67 = tpu.vector_load %arg11[%swap3A_65, %swap3A_66] {strides = array<i32>} : memref<80x128xf32, #tpu.memory_space<vmem>>, vector<1x16xf32>,
      %swap3A_68 = vector.shape_cast %swap3A_67 : vector<1x16xf32> to vector<16xf32>
      %swap3A_69 = vector.shape_cast %broadcast_in_dim3A_64 : vector<16xf32> to vector<1x16xf32>
      tpu.vector_store %arg11[%swap3A_65, %swap3A_66], %swap3A_69 {strides = array<i32>} : memref<80x128xf32, #tpu.memory_space<vmem>>, vector<1x16xf32>,
      %broadcast_in_dim3A_70 = arith.constant 0.000000e+00 : f32
      %broadcast_in_dim3A_71 = vector.broadcast %broadcast_in_dim3A_70 : f32 to vector<16xf32>
      %swap3A_72 = arith.index_cast %scan3A_49 : i32 to index
      %swap3A_73 = arith.constant 48 : index
      %swap3A_74 = tpu.vector_load %arg11[%swap3A_72, %swap3A_73] {strides = array<i32>} : memref<80x128xf32, #tpu.memory_space<vmem>>, vector<1x16xf32>,
      %swap3A_75 = vector.shape_cast %swap3A_74 : vector<1x16xf32> to vector<16xf32>
      %swap3A_76 = vector.shape_cast %broadcast_in_dim3A_71 : vector<16xf32> to vector<1x16xf32>
      tpu.vector_store %arg11[%swap3A_72, %swap3A_73], %swap3A_76 {strides = array<i32>} : memref<80x128xf32, #tpu.memory_space<vmem>>, vector<1x16xf32>,
      %broadcast_in_dim3A_77 = arith.constant 0.000000e+00 : f32
      %broadcast_in_dim3A_78 = vector.broadcast %broadcast_in_dim3A_77 : f32 to vector<16xf32>
      %swap3A_79 = arith.index_cast %scan3A_49 : i32 to index
      %swap3A_80 = arith.constant 64 : index
      %swap3A_81 = tpu.vector_load %arg11[%swap3A_79, %swap3A_80] {strides = array<i32>} : memref<80x128xf32, #tpu.memory_space<vmem>>, vector<1x16xf32>,
      %swap3A_82 = vector.shape_cast %swap3A_81 : vector<1x16xf32> to vector<16xf32>
      %swap3A_83 = vector.shape_cast %broadcast_in_dim3A_78 : vector<16xf32> to vector<1x16xf32>
      tpu.vector_store %arg11[%swap3A_79, %swap3A_80], %swap3A_83 {strides = array<i32>} : memref<80x128xf32, #tpu.memory_space<vmem>>, vector<1x16xf32>,
      %broadcast_in_dim3A_84 = arith.constant 0.000000e+00 : f32
      %broadcast_in_dim3A_85 = vector.broadcast %broadcast_in_dim3A_84 : f32 to vector<16xf32>
      %swap3A_86 = arith.index_cast %scan3A_49 : i32 to index
      %swap3A_87 = arith.constant 80 : index
      %swap3A_88 = tpu.vector_load %arg11[%swap3A_86, %swap3A_87] {strides = array<i32>} : memref<80x128xf32, #tpu.memory_space<vmem>>, vector<1x16xf32>,
      %swap3A_89 = vector.shape_cast %swap3A_88 : vector<1x16xf32> to vector<16xf32>
      %swap3A_90 = vector.shape_cast %broadcast_in_dim3A_85 : vector<16xf32> to vector<1x16xf32>
      tpu.vector_store %arg11[%swap3A_86, %swap3A_87], %swap3A_90 {strides = array<i32>} : memref<80x128xf32, #tpu.memory_space<vmem>>, vector<1x16xf32>,
      %broadcast_in_dim3A_91 = arith.constant 0.000000e+00 : f32
      %broadcast_in_dim3A_92 = vector.broadcast %broadcast_in_dim3A_91 : f32 to vector<16xf32>
      %swap3A_93 = arith.index_cast %scan3A_49 : i32 to index
      %swap3A_94 = arith.constant 96 : index
      %swap3A_95 = tpu.vector_load %arg11[%swap3A_93, %swap3A_94] {strides = array<i32>} : memref<80x128xf32, #tpu.memory_space<vmem>>, vector<1x16xf32>,
      %swap3A_96 = vector.shape_cast %swap3A_95 : vector<1x16xf32> to vector<16xf32>
      %swap3A_97 = vector.shape_cast %broadcast_in_dim3A_92 : vector<16xf32> to vector<1x16xf32>
      tpu.vector_store %arg11[%swap3A_93, %swap3A_94], %swap3A_97 {strides = array<i32>} : memref<80x128xf32, #tpu.memory_space<vmem>>, vector<1x16xf32>,
      %broadcast_in_dim3A_98 = arith.constant 0.000000e+00 : f32
      %broadcast_in_dim3A_99 = vector.broadcast %broadcast_in_dim3A_98 : f32 to vector<16xf32>
      %swap3A_100 = arith.index_cast %scan3A_49 : i32 to index
      %swap3A_101 = arith.constant 112 : index
      %swap3A_102 = tpu.vector_load %arg11[%swap3A_100, %swap3A_101] {strides = array<i32>} : memref<80x128xf32, #tpu.memory_space<vmem>>, vector<1x16xf32>,
      %swap3A_103 = vector.shape_cast %swap3A_102 : vector<1x16xf32> to vector<16xf32>
      %swap3A_104 = vector.shape_cast %broadcast_in_dim3A_99 : vector<16xf32> to vector<1x16xf32>
      tpu.vector_store %arg11[%swap3A_100, %swap3A_101], %swap3A_104 {strides = array<i32>} : memref<80x128xf32, #tpu.memory_space<vmem>>, vector<1x16xf32>,
      %scan3A_105 = arith.constant 0 : i32
      scf.yield %scan3A_105 : i32
    }
    %scan3A_5 = arith.constant 80 : i32
    %lt3A = arith.constant 13 : i32
    %lt3A_6 = arith.cmpi slt, %arg1, %lt3A : i32
    %jit3A = arith.constant 8 : i32
    %jit3A_7 = arith.constant 7 : i32
    %select_n3A = arith.select %lt3A_6, %jit3A, %jit3A_7 : i32
    %while3A = arith.constant 0 : i32
    %while3A_8 = arith.constant 0 : i32
    %while3A_9 = arith.subi %select_n3A, %while3A : i32
    %while3A_10 = arith.addi %while3A, %while3A_9 : i32
    %while3A_11 = arith.constant 1 : i32
    %while3A_12 = arith.divsi %while3A_9, %while3A_11 : i32
    %while3A_13 = arith.muli %while3A_12, %while3A_11 : i32
    %while3A_14 = arith.addi %while3A, %while3A_13 : i32
    %while3A_15 = arith.constant 1 : i32
    %while3A_16 = scf.for %while3A_49 = %while3A to %while3A_14 step %while3A_15 iter_args(%while3A_50 = %while3A_8) -> (i32)  : i32 {
      %mul3A_51 = arith.constant 16 : i32
      %mul3A_52 = arith.muli %mul3A_51, %while3A_49 : i32
      %add3A_53 = arith.addi %arg1, %mul3A_52 : i32
      %mul3A_54 = arith.constant 80 : i32
      %mul3A_55 = arith.muli %add3A_53, %mul3A_54 : i32
      %multiple_of3A = tpu.assume_multiple %mul3A_55, 8 : i32
      "tpu.region"() ({
        %run_scoped3A = tpu.sem_alloc : memref<!tpu.dma_semaphore, #tpu.memory_space<semaphore_mem>>
        %dma_start3A = arith.constant 0 : i32
        %dma_start3A_57 = tpu.memref_slice %arg7[%multiple_of3A, %dma_start3A] : memref<10000x128xf32, #tpu.memory_space<vmem_shared>> -> memref<80x128xf32, #tpu.memory_space<vmem_shared>>
        %dma_start3A_58 = arith.constant 0 : i32
        %dma_start3A_59 = tpu.memref_slice %arg7[%multiple_of3A, %dma_start3A_58] : memref<10000x128xf32, #tpu.memory_space<vmem_shared>> -> memref<80x128xf32, #tpu.memory_space<vmem_shared>>
        tpu.enqueue_dma source(%arg11 : memref<80x128xf32, #tpu.memory_space<vmem>>) target(%dma_start3A_59 : memref<80x128xf32, #tpu.memory_space<vmem_shared>>) target_semaphore(%run_scoped3A : memref<!tpu.dma_semaphore, #tpu.memory_space<semaphore_mem>>)
        %dma_wait3A = arith.constant 0 : i32
        %dma_wait3A_60 = tpu.memref_slice %arg7[%multiple_of3A, %dma_wait3A] : memref<10000x128xf32, #tpu.memory_space<vmem_shared>> -> memref<80x128xf32, #tpu.memory_space<vmem_shared>>
        %dma_wait3A_61 = arith.constant 0 : i32
        %dma_wait3A_62 = tpu.memref_slice %arg7[%multiple_of3A, %dma_wait3A_61] : memref<10000x128xf32, #tpu.memory_space<vmem_shared>> -> memref<80x128xf32, #tpu.memory_space<vmem_shared>>
        tpu.wait_dma2 semaphore(%run_scoped3A : memref<!tpu.dma_semaphore, #tpu.memory_space<semaphore_mem>>) src(%arg11 : memref<80x128xf32, #tpu.memory_space<vmem>>) dst(%dma_wait3A_62 : memref<80x128xf32, #tpu.memory_space<vmem_shared>>)
        tpu.yield
      }) : () -> ()
      %while3A_56 = arith.constant 0 : i32
      scf.yield %while3A_56 : i32
    }
    %while3A_17 = arith.constant 1 : i32
    %while3A_18 = scf.for %while3A_49 = %while3A_14 to %while3A_10 step %while3A_17 iter_args(%while3A_50 = %while3A_16) -> (i32)  : i32 {
      %mul3A_51 = arith.constant 16 : i32
      %mul3A_52 = arith.muli %mul3A_51, %while3A_49 : i32
      %add3A_53 = arith.addi %arg1, %mul3A_52 : i32
      %mul3A_54 = arith.constant 80 : i32
      %mul3A_55 = arith.muli %add3A_53, %mul3A_54 : i32
      %multiple_of3A = tpu.assume_multiple %mul3A_55, 8 : i32
      "tpu.region"() ({
        %run_scoped3A = tpu.sem_alloc : memref<!tpu.dma_semaphore, #tpu.memory_space<semaphore_mem>>
        %dma_start3A = arith.constant 0 : i32
        %dma_start3A_57 = tpu.memref_slice %arg7[%multiple_of3A, %dma_start3A] : memref<10000x128xf32, #tpu.memory_space<vmem_shared>> -> memref<80x128xf32, #tpu.memory_space<vmem_shared>>
        %dma_start3A_58 = arith.constant 0 : i32
        %dma_start3A_59 = tpu.memref_slice %arg7[%multiple_of3A, %dma_start3A_58] : memref<10000x128xf32, #tpu.memory_space<vmem_shared>> -> memref<80x128xf32, #tpu.memory_space<vmem_shared>>
        tpu.enqueue_dma source(%arg11 : memref<80x128xf32, #tpu.memory_space<vmem>>) target(%dma_start3A_59 : memref<80x128xf32, #tpu.memory_space<vmem_shared>>) target_semaphore(%run_scoped3A : memref<!tpu.dma_semaphore, #tpu.memory_space<semaphore_mem>>)
        %dma_wait3A = arith.constant 0 : i32
        %dma_wait3A_60 = tpu.memref_slice %arg7[%multiple_of3A, %dma_wait3A] : memref<10000x128xf32, #tpu.memory_space<vmem_shared>> -> memref<80x128xf32, #tpu.memory_space<vmem_shared>>
        %dma_wait3A_61 = arith.constant 0 : i32
        %dma_wait3A_62 = tpu.memref_slice %arg7[%multiple_of3A, %dma_wait3A_61] : memref<10000x128xf32, #tpu.memory_space<vmem_shared>> -> memref<80x128xf32, #tpu.memory_space<vmem_shared>>
        tpu.wait_dma2 semaphore(%run_scoped3A : memref<!tpu.dma_semaphore, #tpu.memory_space<semaphore_mem>>) src(%arg11 : memref<80x128xf32, #tpu.memory_space<vmem>>) dst(%dma_wait3A_62 : memref<80x128xf32, #tpu.memory_space<vmem_shared>>)
        tpu.yield
      }) : () -> ()
      %while3A_56 = arith.constant 0 : i32
      scf.yield %while3A_56 : i32
    }
    %barrier3A = arith.constant 0 : index
    tpu.barrier barrier_id(%barrier3A)
    %mul3A = arith.constant 10000 : i32
    %mul3A_19 = arith.muli %arg0, %mul3A : i32
    %mul3A_20 = arith.constant 16 : i32
    %mul3A_21 = arith.muli %arg0, %mul3A_20 : i32
    %add3A = arith.addi %mul3A_21, %arg1 : i32
    %mul3A_22 = arith.constant 10000 : i32
    %mul3A_23 = arith.muli %add3A, %mul3A_22 : i32
    %scan3A_24 = arith.constant 0 : i32
    %scan3A_25 = arith.constant 0 : i32
    %scan3A_26 = arith.constant 125 : i32
    %scan3A_27 = arith.addi %scan3A_25, %scan3A_26 : i32
    %scan3A_28 = arith.constant 1 : i32
    %scan3A_29 = scf.for %scan3A_49 = %scan3A_25 to %scan3A_27 step %scan3A_28 iter_args(%scan3A_50 = %scan3A_24) -> (i32)  : i32 {
      %mul3A_51 = arith.constant 80 : i32
      %mul3A_52 = arith.muli %scan3A_49, %mul3A_51 : i32
      %add3A_53 = arith.addi %mul3A_23, %mul3A_52 : i32
      %multiple_of3A = tpu.assume_multiple %add3A_53, 8 : i32
      "tpu.region"() ({
        %run_scoped3A = tpu.sem_alloc : memref<!tpu.dma_semaphore, #tpu.memory_space<semaphore_mem>>
        %dma_start3A_66 = tpu.memref_slice %arg3[%multiple_of3A] : memref<320000xi32, #tpu.memory_space<hbm>> -> memref<80xi32, #tpu.memory_space<hbm>>
        %dma_start3A_67 = tpu.memref_slice %arg3[%multiple_of3A] : memref<320000xi32, #tpu.memory_space<hbm>> -> memref<80xi32, #tpu.memory_space<hbm>>
        tpu.enqueue_dma source(%dma_start3A_67 : memref<80xi32, #tpu.memory_space<hbm>>) target(%arg8 : memref<80xi32, #tpu.memory_space<vmem>>) target_semaphore(%run_scoped3A : memref<!tpu.dma_semaphore, #tpu.memory_space<semaphore_mem>>)
        %dma_wait3A_68 = tpu.memref_slice %arg3[%multiple_of3A] : memref<320000xi32, #tpu.memory_space<hbm>> -> memref<80xi32, #tpu.memory_space<hbm>>
        %dma_wait3A_69 = tpu.memref_slice %arg3[%multiple_of3A] : memref<320000xi32, #tpu.memory_space<hbm>> -> memref<80xi32, #tpu.memory_space<hbm>>
        tpu.wait_dma2 semaphore(%run_scoped3A : memref<!tpu.dma_semaphore, #tpu.memory_space<semaphore_mem>>) src(%dma_wait3A_69 : memref<80xi32, #tpu.memory_space<hbm>>) dst(%arg8 : memref<80xi32, #tpu.memory_space<vmem>>)
        tpu.yield
      }) : () -> ()
      "tpu.region"() ({
        %run_scoped3A = tpu.sem_alloc : memref<!tpu.dma_semaphore, #tpu.memory_space<semaphore_mem>>
        %dma_start3A_66 = tpu.memref_slice %arg4[%multiple_of3A] : memref<320000xi32, #tpu.memory_space<hbm>> -> memref<80xi32, #tpu.memory_space<hbm>>
        %dma_start3A_67 = tpu.memref_slice %arg4[%multiple_of3A] : memref<320000xi32, #tpu.memory_space<hbm>> -> memref<80xi32, #tpu.memory_space<hbm>>
        tpu.enqueue_dma source(%dma_start3A_67 : memref<80xi32, #tpu.memory_space<hbm>>) target(%arg9 : memref<80xi32, #tpu.memory_space<vmem>>) target_semaphore(%run_scoped3A : memref<!tpu.dma_semaphore, #tpu.memory_space<semaphore_mem>>)
        %dma_wait3A_68 = tpu.memref_slice %arg4[%multiple_of3A] : memref<320000xi32, #tpu.memory_space<hbm>> -> memref<80xi32, #tpu.memory_space<hbm>>
        %dma_wait3A_69 = tpu.memref_slice %arg4[%multiple_of3A] : memref<320000xi32, #tpu.memory_space<hbm>> -> memref<80xi32, #tpu.memory_space<hbm>>
        tpu.wait_dma2 semaphore(%run_scoped3A : memref<!tpu.dma_semaphore, #tpu.memory_space<semaphore_mem>>) src(%dma_wait3A_69 : memref<80xi32, #tpu.memory_space<hbm>>) dst(%arg9 : memref<80xi32, #tpu.memory_space<vmem>>)
        tpu.yield
      }) : () -> ()
      "tpu.region"() ({
        %run_scoped3A = tpu.sem_alloc : memref<!tpu.dma_semaphore, #tpu.memory_space<semaphore_mem>>
        %dma_start3A_66 = arith.constant 0 : i32
        %dma_start3A_67 = tpu.memref_slice %arg5[%multiple_of3A, %dma_start3A_66] : memref<320000x16xf32, #tpu.memory_space<hbm>> -> memref<80x16xf32, #tpu.memory_space<hbm>>
        %dma_start3A_68 = arith.constant 0 : i32
        %dma_start3A_69 = tpu.memref_slice %arg5[%multiple_of3A, %dma_start3A_68] : memref<320000x16xf32, #tpu.memory_space<hbm>> -> memref<80x16xf32, #tpu.memory_space<hbm>>
        tpu.enqueue_dma source(%dma_start3A_69 : memref<80x16xf32, #tpu.memory_space<hbm>>) target(%arg10 : memref<80x16xf32, #tpu.memory_space<vmem>>) target_semaphore(%run_scoped3A : memref<!tpu.dma_semaphore, #tpu.memory_space<semaphore_mem>>)
        %dma_wait3A_70 = arith.constant 0 : i32
        %dma_wait3A_71 = tpu.memref_slice %arg5[%multiple_of3A, %dma_wait3A_70] : memref<320000x16xf32, #tpu.memory_space<hbm>> -> memref<80x16xf32, #tpu.memory_space<hbm>>
        %dma_wait3A_72 = arith.constant 0 : i32
        %dma_wait3A_73 = tpu.memref_slice %arg5[%multiple_of3A, %dma_wait3A_72] : memref<320000x16xf32, #tpu.memory_space<hbm>> -> memref<80x16xf32, #tpu.memory_space<hbm>>
        tpu.wait_dma2 semaphore(%run_scoped3A : memref<!tpu.dma_semaphore, #tpu.memory_space<semaphore_mem>>) src(%dma_wait3A_73 : memref<80x16xf32, #tpu.memory_space<hbm>>) dst(%arg10 : memref<80x16xf32, #tpu.memory_space<vmem>>)
        tpu.yield
      }) : () -> ()
      %dma_start3A = arith.constant 0 : i32
      %dma_start3A_54 = arith.constant 0 : i32
      %dma_start3A_55 = tpu.memref_slice %arg2[%dma_start3A, %dma_start3A_54] : memref<10000x128xf32, #tpu.memory_space<hbm>> -> memref<10000x128xf32, #tpu.memory_space<hbm>>
      tpu.enqueue_indirect_dma source(%dma_start3A_55 : memref<10000x128xf32, #tpu.memory_space<hbm>>) target(%arg11 : memref<80x128xf32, #tpu.memory_space<vmem>>) offsets(%arg8 : memref<80xi32, #tpu.memory_space<vmem>>) semaphore(%arg12 : memref<!tpu.dma_semaphore, #tpu.memory_space<semaphore_mem>>)
      %dma_wait3A = arith.constant 0 : i32
      %dma_wait3A_56 = arith.constant 0 : i32
      %dma_wait3A_57 = tpu.memref_slice %arg2[%dma_wait3A, %dma_wait3A_56] : memref<10000x128xf32, #tpu.memory_space<hbm>> -> memref<10000x128xf32, #tpu.memory_space<hbm>>
      tpu.wait_indirect_dma semaphore(%arg12 : memref<!tpu.dma_semaphore, #tpu.memory_space<semaphore_mem>>) src(%dma_wait3A_57 : memref<10000x128xf32, #tpu.memory_space<hbm>>) dst(%arg11 : memref<80x128xf32, #tpu.memory_space<vmem>>)
      %scan3A_58 = arith.constant 0 : i32
      %scan3A_59 = arith.constant 0 : i32
      %scan3A_60 = arith.constant 80 : i32
      %scan3A_61 = arith.addi %scan3A_59, %scan3A_60 : i32
      %scan3A_62 = arith.constant 1 : i32
      %scan3A_63 = scf.for %scan3A_66 = %scan3A_59 to %scan3A_61 step %scan3A_62 iter_args(%scan3A_67 = %scan3A_58) -> (i32)  : i32 {
        %get3A = arith.index_cast %scan3A_66 : i32 to index
        %get3A_68 = arith.constant 0 : index
        %get3A_69 = tpu.vector_load %arg10[%get3A, %get3A_68] {strides = array<i32>} : memref<80x16xf32, #tpu.memory_space<vmem>>, vector<1x16xf32>,
        %get3A_70 = vector.shape_cast %get3A_69 : vector<1x16xf32> to vector<16xf32>
        %get3A_71 = arith.index_cast %scan3A_66 : i32 to index
        %get3A_72 = arith.constant 0 : index
        %get3A_73 = tpu.vector_load %arg11[%get3A_71, %get3A_72] {strides = array<i32>} : memref<80x128xf32, #tpu.memory_space<vmem>>, vector<1x16xf32>,
        %get3A_74 = vector.shape_cast %get3A_73 : vector<1x16xf32> to vector<16xf32>
        %mul3A_75 = arith.mulf %get3A_74, %get3A_70 : vector<16xf32>
        %swap3A = arith.index_cast %scan3A_66 : i32 to index
        %swap3A_76 = arith.constant 0 : index
        %swap3A_77 = tpu.vector_load %arg11[%swap3A, %swap3A_76] {strides = array<i32>} : memref<80x128xf32, #tpu.memory_space<vmem>>, vector<1x16xf32>,
        %swap3A_78 = vector.shape_cast %swap3A_77 : vector<1x16xf32> to vector<16xf32>
        %swap3A_79 = vector.shape_cast %mul3A_75 : vector<16xf32> to vector<1x16xf32>
        tpu.vector_store %arg11[%swap3A, %swap3A_76], %swap3A_79 {strides = array<i32>} : memref<80x128xf32, #tpu.memory_space<vmem>>, vector<1x16xf32>,
        %get3A_80 = arith.index_cast %scan3A_66 : i32 to index
        %get3A_81 = arith.constant 16 : index
        %get3A_82 = tpu.vector_load %arg11[%get3A_80, %get3A_81] {strides = array<i32>} : memref<80x128xf32, #tpu.memory_space<vmem>>, vector<1x16xf32>,
        %get3A_83 = vector.shape_cast %get3A_82 : vector<1x16xf32> to vector<16xf32>
        %mul3A_84 = arith.mulf %get3A_83, %get3A_70 : vector<16xf32>
        %swap3A_85 = arith.index_cast %scan3A_66 : i32 to index
        %swap3A_86 = arith.constant 16 : index
        %swap3A_87 = tpu.vector_load %arg11[%swap3A_85, %swap3A_86] {strides = array<i32>} : memref<80x128xf32, #tpu.memory_space<vmem>>, vector<1x16xf32>,
        %swap3A_88 = vector.shape_cast %swap3A_87 : vector<1x16xf32> to vector<16xf32>
        %swap3A_89 = vector.shape_cast %mul3A_84 : vector<16xf32> to vector<1x16xf32>
        tpu.vector_store %arg11[%swap3A_85, %swap3A_86], %swap3A_89 {strides = array<i32>} : memref<80x128xf32, #tpu.memory_space<vmem>>, vector<1x16xf32>,
        %get3A_90 = arith.index_cast %scan3A_66 : i32 to index
        %get3A_91 = arith.constant 32 : index
        %get3A_92 = tpu.vector_load %arg11[%get3A_90, %get3A_91] {strides = array<i32>} : memref<80x128xf32, #tpu.memory_space<vmem>>, vector<1x16xf32>,
        %get3A_93 = vector.shape_cast %get3A_92 : vector<1x16xf32> to vector<16xf32>
        %mul3A_94 = arith.mulf %get3A_93, %get3A_70 : vector<16xf32>
        %swap3A_95 = arith.index_cast %scan3A_66 : i32 to index
        %swap3A_96 = arith.constant 32 : index
        %swap3A_97 = tpu.vector_load %arg11[%swap3A_95, %swap3A_96] {strides = array<i32>} : memref<80x128xf32, #tpu.memory_space<vmem>>, vector<1x16xf32>,
        %swap3A_98 = vector.shape_cast %swap3A_97 : vector<1x16xf32> to vector<16xf32>
        %swap3A_99 = vector.shape_cast %mul3A_94 : vector<16xf32> to vector<1x16xf32>
        tpu.vector_store %arg11[%swap3A_95, %swap3A_96], %swap3A_99 {strides = array<i32>} : memref<80x128xf32, #tpu.memory_space<vmem>>, vector<1x16xf32>,
        %get3A_100 = arith.index_cast %scan3A_66 : i32 to index
        %get3A_101 = arith.constant 48 : index
        %get3A_102 = tpu.vector_load %arg11[%get3A_100, %get3A_101] {strides = array<i32>} : memref<80x128xf32, #tpu.memory_space<vmem>>, vector<1x16xf32>,
        %get3A_103 = vector.shape_cast %get3A_102 : vector<1x16xf32> to vector<16xf32>
        %mul3A_104 = arith.mulf %get3A_103, %get3A_70 : vector<16xf32>
        %swap3A_105 = arith.index_cast %scan3A_66 : i32 to index
        %swap3A_106 = arith.constant 48 : index
        %swap3A_107 = tpu.vector_load %arg11[%swap3A_105, %swap3A_106] {strides = array<i32>} : memref<80x128xf32, #tpu.memory_space<vmem>>, vector<1x16xf32>,
        %swap3A_108 = vector.shape_cast %swap3A_107 : vector<1x16xf32> to vector<16xf32>
        %swap3A_109 = vector.shape_cast %mul3A_104 : vector<16xf32> to vector<1x16xf32>
        tpu.vector_store %arg11[%swap3A_105, %swap3A_106], %swap3A_109 {strides = array<i32>} : memref<80x128xf32, #tpu.memory_space<vmem>>, vector<1x16xf32>,
        %get3A_110 = arith.index_cast %scan3A_66 : i32 to index
        %get3A_111 = arith.constant 64 : index
        %get3A_112 = tpu.vector_load %arg11[%get3A_110, %get3A_111] {strides = array<i32>} : memref<80x128xf32, #tpu.memory_space<vmem>>, vector<1x16xf32>,
        %get3A_113 = vector.shape_cast %get3A_112 : vector<1x16xf32> to vector<16xf32>
        %mul3A_114 = arith.mulf %get3A_113, %get3A_70 : vector<16xf32>
        %swap3A_115 = arith.index_cast %scan3A_66 : i32 to index
        %swap3A_116 = arith.constant 64 : index
        %swap3A_117 = tpu.vector_load %arg11[%swap3A_115, %swap3A_116] {strides = array<i32>} : memref<80x128xf32, #tpu.memory_space<vmem>>, vector<1x16xf32>,
        %swap3A_118 = vector.shape_cast %swap3A_117 : vector<1x16xf32> to vector<16xf32>
        %swap3A_119 = vector.shape_cast %mul3A_114 : vector<16xf32> to vector<1x16xf32>
        tpu.vector_store %arg11[%swap3A_115, %swap3A_116], %swap3A_119 {strides = array<i32>} : memref<80x128xf32, #tpu.memory_space<vmem>>, vector<1x16xf32>,
        %get3A_120 = arith.index_cast %scan3A_66 : i32 to index
        %get3A_121 = arith.constant 80 : index
        %get3A_122 = tpu.vector_load %arg11[%get3A_120, %get3A_121] {strides = array<i32>} : memref<80x128xf32, #tpu.memory_space<vmem>>, vector<1x16xf32>,
        %get3A_123 = vector.shape_cast %get3A_122 : vector<1x16xf32> to vector<16xf32>
        %mul3A_124 = arith.mulf %get3A_123, %get3A_70 : vector<16xf32>
        %swap3A_125 = arith.index_cast %scan3A_66 : i32 to index
        %swap3A_126 = arith.constant 80 : index
        %swap3A_127 = tpu.vector_load %arg11[%swap3A_125, %swap3A_126] {strides = array<i32>} : memref<80x128xf32, #tpu.memory_space<vmem>>, vector<1x16xf32>,
        %swap3A_128 = vector.shape_cast %swap3A_127 : vector<1x16xf32> to vector<16xf32>
        %swap3A_129 = vector.shape_cast %mul3A_124 : vector<16xf32> to vector<1x16xf32>
        tpu.vector_store %arg11[%swap3A_125, %swap3A_126], %swap3A_129 {strides = array<i32>} : memref<80x128xf32, #tpu.memory_space<vmem>>, vector<1x16xf32>,
        %get3A_130 = arith.index_cast %scan3A_66 : i32 to index
        %get3A_131 = arith.constant 96 : index
        %get3A_132 = tpu.vector_load %arg11[%get3A_130, %get3A_131] {strides = array<i32>} : memref<80x128xf32, #tpu.memory_space<vmem>>, vector<1x16xf32>,
        %get3A_133 = vector.shape_cast %get3A_132 : vector<1x16xf32> to vector<16xf32>
        %mul3A_134 = arith.mulf %get3A_133, %get3A_70 : vector<16xf32>
        %swap3A_135 = arith.index_cast %scan3A_66 : i32 to index
        %swap3A_136 = arith.constant 96 : index
        %swap3A_137 = tpu.vector_load %arg11[%swap3A_135, %swap3A_136] {strides = array<i32>} : memref<80x128xf32, #tpu.memory_space<vmem>>, vector<1x16xf32>,
        %swap3A_138 = vector.shape_cast %swap3A_137 : vector<1x16xf32> to vector<16xf32>
        %swap3A_139 = vector.shape_cast %mul3A_134 : vector<16xf32> to vector<1x16xf32>
        tpu.vector_store %arg11[%swap3A_135, %swap3A_136], %swap3A_139 {strides = array<i32>} : memref<80x128xf32, #tpu.memory_space<vmem>>, vector<1x16xf32>,
        %get3A_140 = arith.index_cast %scan3A_66 : i32 to index
        %get3A_141 = arith.constant 112 : index
        %get3A_142 = tpu.vector_load %arg11[%get3A_140, %get3A_141] {strides = array<i32>} : memref<80x128xf32, #tpu.memory_space<vmem>>, vector<1x16xf32>,
        %get3A_143 = vector.shape_cast %get3A_142 : vector<1x16xf32> to vector<16xf32>
        %mul3A_144 = arith.mulf %get3A_143, %get3A_70 : vector<16xf32>
        %swap3A_145 = arith.index_cast %scan3A_66 : i32 to index
        %swap3A_146 = arith.constant 112 : index
        %swap3A_147 = tpu.vector_load %arg11[%swap3A_145, %swap3A_146] {strides = array<i32>} : memref<80x128xf32, #tpu.memory_space<vmem>>, vector<1x16xf32>,
        %swap3A_148 = vector.shape_cast %swap3A_147 : vector<1x16xf32> to vector<16xf32>
        %swap3A_149 = vector.shape_cast %mul3A_144 : vector<16xf32> to vector<1x16xf32>
        tpu.vector_store %arg11[%swap3A_145, %swap3A_146], %swap3A_149 {strides = array<i32>} : memref<80x128xf32, #tpu.memory_space<vmem>>, vector<1x16xf32>,
        %scan3A_150 = arith.constant 0 : i32
        scf.yield %scan3A_150 : i32
      }
      %scan3A_64 = arith.constant 80 : i32
      "tpu.region"() ({
        %run_scoped3A = tpu.sem_alloc : memref<!tpu.dma_semaphore, #tpu.memory_space<semaphore_mem>>
        %dma_start3A_66 = arith.constant 0 : i32
        %dma_start3A_67 = arith.constant 0 : i32
        %dma_start3A_68 = tpu.memref_slice %arg7[%dma_start3A_66, %dma_start3A_67] : memref<10000x128xf32, #tpu.memory_space<vmem_shared>> -> memref<10000x128xf32, #tpu.memory_space<vmem_shared>>
        tpu.enqueue_indirect_dma source(%arg11 : memref<80x128xf32, #tpu.memory_space<vmem>>) target(%dma_start3A_68 : memref<10000x128xf32, #tpu.memory_space<vmem_shared>>) offsets(%arg9 : memref<80xi32, #tpu.memory_space<vmem>>) semaphore(%run_scoped3A : memref<!tpu.dma_semaphore, #tpu.memory_space<semaphore_mem>>) {add = true}
        %dma_wait3A_69 = arith.constant 0 : i32
        %dma_wait3A_70 = arith.constant 0 : i32
        %dma_wait3A_71 = tpu.memref_slice %arg7[%dma_wait3A_69, %dma_wait3A_70] : memref<10000x128xf32, #tpu.memory_space<vmem_shared>> -> memref<10000x128xf32, #tpu.memory_space<vmem_shared>>
        tpu.wait_indirect_dma semaphore(%run_scoped3A : memref<!tpu.dma_semaphore, #tpu.memory_space<semaphore_mem>>) src(%arg11 : memref<80x128xf32, #tpu.memory_space<vmem>>) dst(%dma_wait3A_71 : memref<10000x128xf32, #tpu.memory_space<vmem_shared>>)
        tpu.yield
      }) : () -> ()
      %scan3A_65 = arith.constant 0 : i32
      scf.yield %scan3A_65 : i32
    }
    %scan3A_30 = arith.constant 125 : i32
    %barrier3A_31 = arith.constant 0 : index
    tpu.barrier barrier_id(%barrier3A_31)
    %lt3A_32 = arith.constant 13 : i32
    %lt3A_33 = arith.cmpi slt, %arg1, %lt3A_32 : i32
    %jit3A_34 = arith.constant 8 : i32
    %jit3A_35 = arith.constant 7 : i32
    %select_n3A_36 = arith.select %lt3A_33, %jit3A_34, %jit3A_35 : i32
    %while3A_37 = arith.constant 0 : i32
    %while3A_38 = arith.constant 0 : i32
    %while3A_39 = arith.subi %select_n3A_36, %while3A_37 : i32
    %while3A_40 = arith.addi %while3A_37, %while3A_39 : i32
    %while3A_41 = arith.constant 1 : i32
    %while3A_42 = arith.divsi %while3A_39, %while3A_41 : i32
    %while3A_43 = arith.muli %while3A_42, %while3A_41 : i32
    %while3A_44 = arith.addi %while3A_37, %while3A_43 : i32
    %while3A_45 = arith.constant 1 : i32
    %while3A_46 = scf.for %while3A_49 = %while3A_37 to %while3A_44 step %while3A_45 iter_args(%while3A_50 = %while3A_38) -> (i32)  : i32 {
      %mul3A_51 = arith.constant 16 : i32
      %mul3A_52 = arith.muli %mul3A_51, %while3A_49 : i32
      %add3A_53 = arith.addi %arg1, %mul3A_52 : i32
      %mul3A_54 = arith.constant 80 : i32
      %mul3A_55 = arith.muli %add3A_53, %mul3A_54 : i32
      %multiple_of3A = tpu.assume_multiple %mul3A_55, 8 : i32
      %add3A_56 = arith.addi %mul3A_19, %multiple_of3A : i32
      %multiple_of3A_57 = tpu.assume_multiple %add3A_56, 8 : i32
      "tpu.region"() ({
        %run_scoped3A = tpu.sem_alloc : memref<!tpu.dma_semaphore, #tpu.memory_space<semaphore_mem>>
        %dma_start3A = arith.constant 0 : i32
        %dma_start3A_59 = tpu.memref_slice %arg6[%multiple_of3A_57, %dma_start3A] : memref<20000x128xf32, #tpu.memory_space<hbm>> -> memref<80x128xf32, #tpu.memory_space<hbm>>
        %dma_start3A_60 = arith.constant 0 : i32
        %dma_start3A_61 = tpu.memref_slice %arg7[%multiple_of3A, %dma_start3A_60] : memref<10000x128xf32, #tpu.memory_space<vmem_shared>> -> memref<80x128xf32, #tpu.memory_space<vmem_shared>>
        tpu.enqueue_dma source(%dma_start3A_61 : memref<80x128xf32, #tpu.memory_space<vmem_shared>>) target(%dma_start3A_59 : memref<80x128xf32, #tpu.memory_space<hbm>>) target_semaphore(%run_scoped3A : memref<!tpu.dma_semaphore, #tpu.memory_space<semaphore_mem>>)
        %dma_wait3A = arith.constant 0 : i32
        %dma_wait3A_62 = tpu.memref_slice %arg6[%multiple_of3A_57, %dma_wait3A] : memref<20000x128xf32, #tpu.memory_space<hbm>> -> memref<80x128xf32, #tpu.memory_space<hbm>>
        %dma_wait3A_63 = arith.constant 0 : i32
        %dma_wait3A_64 = tpu.memref_slice %arg7[%multiple_of3A, %dma_wait3A_63] : memref<10000x128xf32, #tpu.memory_space<vmem_shared>> -> memref<80x128xf32, #tpu.memory_space<vmem_shared>>
        tpu.wait_dma2 semaphore(%run_scoped3A : memref<!tpu.dma_semaphore, #tpu.memory_space<semaphore_mem>>) src(%dma_wait3A_64 : memref<80x128xf32, #tpu.memory_space<vmem_shared>>) dst(%dma_wait3A_62 : memref<80x128xf32, #tpu.memory_space<hbm>>)
        tpu.yield
      }) : () -> ()
      %while3A_58 = arith.constant 0 : i32
      scf.yield %while3A_58 : i32
    }
    %while3A_47 = arith.constant 1 : i32
    %while3A_48 = scf.for %while3A_49 = %while3A_44 to %while3A_40 step %while3A_47 iter_args(%while3A_50 = %while3A_46) -> (i32)  : i32 {
      %mul3A_51 = arith.constant 16 : i32
      %mul3A_52 = arith.muli %mul3A_51, %while3A_49 : i32
      %add3A_53 = arith.addi %arg1, %mul3A_52 : i32
      %mul3A_54 = arith.constant 80 : i32
      %mul3A_55 = arith.muli %add3A_53, %mul3A_54 : i32
      %multiple_of3A = tpu.assume_multiple %mul3A_55, 8 : i32
      %add3A_56 = arith.addi %mul3A_19, %multiple_of3A : i32
      %multiple_of3A_57 = tpu.assume_multiple %add3A_56, 8 : i32
      "tpu.region"() ({
        %run_scoped3A = tpu.sem_alloc : memref<!tpu.dma_semaphore, #tpu.memory_space<semaphore_mem>>
        %dma_start3A = arith.constant 0 : i32
        %dma_start3A_59 = tpu.memref_slice %arg6[%multiple_of3A_57, %dma_start3A] : memref<20000x128xf32, #tpu.memory_space<hbm>> -> memref<80x128xf32, #tpu.memory_space<hbm>>
        %dma_start3A_60 = arith.constant 0 : i32
        %dma_start3A_61 = tpu.memref_slice %arg7[%multiple_of3A, %dma_start3A_60] : memref<10000x128xf32, #tpu.memory_space<vmem_shared>> -> memref<80x128xf32, #tpu.memory_space<vmem_shared>>
        tpu.enqueue_dma source(%dma_start3A_61 : memref<80x128xf32, #tpu.memory_space<vmem_shared>>) target(%dma_start3A_59 : memref<80x128xf32, #tpu.memory_space<hbm>>) target_semaphore(%run_scoped3A : memref<!tpu.dma_semaphore, #tpu.memory_space<semaphore_mem>>)
        %dma_wait3A = arith.constant 0 : i32
        %dma_wait3A_62 = tpu.memref_slice %arg6[%multiple_of3A_57, %dma_wait3A] : memref<20000x128xf32, #tpu.memory_space<hbm>> -> memref<80x128xf32, #tpu.memory_space<hbm>>
        %dma_wait3A_63 = arith.constant 0 : i32
        %dma_wait3A_64 = tpu.memref_slice %arg7[%multiple_of3A, %dma_wait3A_63] : memref<10000x128xf32, #tpu.memory_space<vmem_shared>> -> memref<80x128xf32, #tpu.memory_space<vmem_shared>>
        tpu.wait_dma2 semaphore(%run_scoped3A : memref<!tpu.dma_semaphore, #tpu.memory_space<semaphore_mem>>) src(%dma_wait3A_64 : memref<80x128xf32, #tpu.memory_space<vmem_shared>>) dst(%dma_wait3A_62 : memref<80x128xf32, #tpu.memory_space<hbm>>)
        tpu.yield
      }) : () -> ()
      %while3A_58 = arith.constant 0 : i32
      scf.yield %while3A_58 : i32
    }
    return
  }
}

module attributes {stable_mosaic.version = 14 : i64} {
  func.func @_prep_body(%arg0: i32, %arg1: memref<1000x32xf32, #tpu.memory_space<vmem>>, %arg2: memref<1000x128xf32, #tpu.memory_space<vmem>>, %arg3: memref<1000x1xf32, #tpu.memory_space<vmem>>, %arg4: memref<1000x128xf32, #tpu.memory_space<vmem>>) attributes {dimension_semantics = [#tpu.dimension_semantics<arbitrary>], iteration_bounds = array<i64: 10>, scalar_prefetch = 0 : i64, scratch_operands = 0 : i64, tpu.core_type = #tpu.core_type<tc>, window_params = [{transform_indices = @transform_0, window_bounds = array<i64: 1000, 32>}, {transform_indices = @transform_1, window_bounds = array<i64: 1000, 128>}, {transform_indices = @transform_2, window_bounds = array<i64: 1000, 1>}, {transform_indices = @transform_3, window_bounds = array<i64: 1000, 128>}]} {
    %get3A = arith.constant 0 : index
    %get3A_0 = arith.constant 0 : index
    %get3A_1 = vector.load %arg1[%get3A, %get3A_0] : memref<1000x32xf32, #tpu.memory_space<vmem>>, vector<1000x32xf32>
    %reduce_sum3A = arith.constant dense<0.000000e+00> : vector<1000xf32>
    %reduce_sum3A_2 = vector.multi_reduction <add>, %get3A_1, %reduce_sum3A [1] : vector<1000x32xf32> to vector<1000xf32>
    %add3A = arith.constant 1.000000e+00 : f32
    %add3A_3 = vector.broadcast %add3A : f32 to vector<1000xf32>
    %add3A_4 = arith.addf %reduce_sum3A_2, %add3A_3 : vector<1000xf32>
    %rsqrt3A = math.rsqrt %add3A_4 : vector<1000xf32>
    %broadcast_in_dim3A = vector.shape_cast %rsqrt3A : vector<1000xf32> to vector<1000x1xf32>
    %swap3A = arith.constant 0 : index
    %swap3A_5 = arith.constant 0 : index
    %swap3A_6 = vector.load %arg3[%swap3A, %swap3A_5] : memref<1000x1xf32, #tpu.memory_space<vmem>>, vector<1000x1xf32>
    tpu.vector_store %arg3[%swap3A, %swap3A_5], %broadcast_in_dim3A {strides = array<i32>} : memref<1000x1xf32, #tpu.memory_space<vmem>>, vector<1000x1xf32>,
    %broadcast_in_dim3A_7 = vector.shape_cast %rsqrt3A : vector<1000xf32> to vector<1000x1xf32>
    %get3A_8 = arith.constant 0 : index
    %get3A_9 = arith.constant 0 : index
    %get3A_10 = vector.load %arg2[%get3A_8, %get3A_9] : memref<1000x128xf32, #tpu.memory_space<vmem>>, vector<1000x128xf32>
    %mul3A = vector.broadcast %broadcast_in_dim3A_7 : vector<1000x1xf32> to vector<1000x128xf32>
    %mul3A_11 = arith.mulf %mul3A, %get3A_10 : vector<1000x128xf32>
    %swap3A_12 = arith.constant 0 : index
    %swap3A_13 = arith.constant 0 : index
    %swap3A_14 = vector.load %arg4[%swap3A_12, %swap3A_13] : memref<1000x128xf32, #tpu.memory_space<vmem>>, vector<1000x128xf32>
    tpu.vector_store %arg4[%swap3A_12, %swap3A_13], %mul3A_11 {strides = array<i32>} : memref<1000x128xf32, #tpu.memory_space<vmem>>, vector<1000x128xf32>,
    return
  }
  func.func @transform_0(%arg0: i32) -> (i32, i32) {
    %c0_i32 = arith.constant 0 : i32
    %c0_i32_0 = arith.constant 0 : i32
    return %arg0, %c0_i32 : i32, i32
  }
  func.func @transform_1(%arg0: i32) -> (i32, i32) {
    %c0_i32 = arith.constant 0 : i32
    %c0_i32_0 = arith.constant 0 : i32
    return %arg0, %c0_i32 : i32, i32
  }
  func.func @transform_2(%arg0: i32) -> (i32, i32) {
    %c0_i32 = arith.constant 0 : i32
    %c0_i32_0 = arith.constant 0 : i32
    return %arg0, %c0_i32 : i32, i32
  }
  func.func @transform_3(%arg0: i32) -> (i32, i32) {
    %c0_i32 = arith.constant 0 : i32
    %c0_i32_0 = arith.constant 0 : i32
    return %arg0, %c0_i32 : i32, i32
  }
}

module attributes {stable_mosaic.version = 14 : i64} {
  func.func @_l1_body(%arg0: i32, %arg1: memref<2x1000x128xf32, #tpu.memory_space<vmem>>, %arg2: memref<1000x128xf32, #tpu.memory_space<vmem>>, %arg3: memref<1000x1xf32, #tpu.memory_space<vmem>>, %arg4: memref<128x256xf32, #tpu.memory_space<vmem>>, %arg5: memref<1x256xf32, #tpu.memory_space<vmem>>, %arg6: memref<2x1000x128xf32, #tpu.memory_space<vmem>>) attributes {dimension_semantics = [#tpu.dimension_semantics<arbitrary>], iteration_bounds = array<i64: 10>, scalar_prefetch = 0 : i64, scratch_operands = 0 : i64, tpu.core_type = #tpu.core_type<tc>, window_params = [{transform_indices = @transform_0, window_bounds = array<i64: 2, 1000, 128>}, {transform_indices = @transform_1, window_bounds = array<i64: 1000, 128>}, {transform_indices = @transform_2, window_bounds = array<i64: 1000, 1>}, {pipeline_mode = #tpu.pipeline_mode<synchronous>, transform_indices = @transform_3, window_bounds = array<i64: 128, 256>}, {pipeline_mode = #tpu.pipeline_mode<synchronous>, transform_indices = @transform_4, window_bounds = array<i64: 1, 256>}, {transform_indices = @transform_5, window_bounds = array<i64: 2, 1000, 128>}]} {
    %get3A = arith.constant 0 : index
    %get3A_0 = arith.constant 0 : index
    %get3A_1 = vector.load %arg3[%get3A, %get3A_0] : memref<1000x1xf32, #tpu.memory_space<vmem>>, vector<1000x1xf32>
    %get3A_2 = arith.constant 0 : index
    %get3A_3 = arith.constant 0 : index
    %get3A_4 = arith.constant 0 : index
    %get3A_5 = vector.load %arg1[%get3A_2, %get3A_3, %get3A_4] : memref<2x1000x128xf32, #tpu.memory_space<vmem>>, vector<1x1000x128xf32>
    %get3A_6 = vector.shape_cast %get3A_5 : vector<1x1000x128xf32> to vector<1000x128xf32>
    %get3A_7 = arith.constant 1 : index
    %get3A_8 = arith.constant 0 : index
    %get3A_9 = arith.constant 0 : index
    %get3A_10 = vector.load %arg1[%get3A_7, %get3A_8, %get3A_9] : memref<2x1000x128xf32, #tpu.memory_space<vmem>>, vector<1x1000x128xf32>
    %get3A_11 = vector.shape_cast %get3A_10 : vector<1x1000x128xf32> to vector<1000x128xf32>
    %add3A = arith.addf %get3A_6, %get3A_11 : vector<1000x128xf32>
    %get3A_12 = arith.constant 0 : index
    %get3A_13 = arith.constant 0 : index
    %get3A_14 = vector.load %arg2[%get3A_12, %get3A_13] : memref<1000x128xf32, #tpu.memory_space<vmem>>, vector<1000x128xf32>
    %add3A_15 = arith.addf %add3A, %get3A_14 : vector<1000x128xf32>
    %mul3A = vector.broadcast %get3A_1 : vector<1000x1xf32> to vector<1000x128xf32>
    %mul3A_16 = arith.mulf %mul3A, %add3A_15 : vector<1000x128xf32>
    %get3A_17 = arith.constant 0 : index
    %get3A_18 = arith.constant 0 : index
    %get3A_19 = vector.load %arg4[%get3A_17, %get3A_18] : memref<128x256xf32, #tpu.memory_space<vmem>>, vector<128x256xf32>
    %dot_general3A = arith.constant dense<0.000000e+00> : vector<1000x256xf32>
    %dot_general3A_20 = tpu.matmul %mul3A_16, %get3A_19, %dot_general3A {dimension_numbers = #tpu.dot_dimension_numbers<[1], [0], [0], [1], [0, 0, 1, 1], [], []>, transpose_lhs_hint = false} : vector<1000x128xf32>, vector<128x256xf32>, vector<1000x256xf32> -> vector<1000x256xf32>
    %get3A_21 = arith.constant 0 : index
    %get3A_22 = arith.constant 0 : index
    %get3A_23 = vector.load %arg5[%get3A_21, %get3A_22] : memref<1x256xf32, #tpu.memory_space<vmem>>, vector<1x256xf32>
    %add3A_24 = vector.broadcast %get3A_23 : vector<1x256xf32> to vector<1000x256xf32>
    %add3A_25 = arith.addf %dot_general3A_20, %add3A_24 : vector<1000x256xf32>
    %max3A = arith.constant 0.000000e+00 : f32
    %max3A_26 = vector.broadcast %max3A : f32 to vector<1000x256xf32>
    %max3A_27 = arith.maximumf %add3A_25, %max3A_26 : vector<1000x256xf32>
    %mul3A_28 = vector.broadcast %get3A_1 : vector<1000x1xf32> to vector<1000x256xf32>
    %mul3A_29 = arith.mulf %mul3A_28, %max3A_27 : vector<1000x256xf32>
    %slice3A = vector.extract_strided_slice %mul3A_29 {offsets = [0, 0], sizes = [1000, 128], strides = [1, 1]} : vector<1000x256xf32> to vector<1000x128xf32>
    %slice3A_30 = vector.extract_strided_slice %mul3A_29 {offsets = [0, 128], sizes = [1000, 128], strides = [1, 1]} : vector<1000x256xf32> to vector<1000x128xf32>
    %stack3A = vector.shape_cast %slice3A : vector<1000x128xf32> to vector<1x1000x128xf32>
    %stack3A_31 = vector.shape_cast %slice3A_30 : vector<1000x128xf32> to vector<1x1000x128xf32>
    %stack3A_32 = tpu.concatenate %stack3A, %stack3A_31 in 0 : vector<1x1000x128xf32>, vector<1x1000x128xf32> -> vector<2x1000x128xf32>
    %swap3A = arith.constant 0 : index
    %swap3A_33 = arith.constant 0 : index
    %swap3A_34 = arith.constant 0 : index
    %swap3A_35 = vector.load %arg6[%swap3A, %swap3A_33, %swap3A_34] : memref<2x1000x128xf32, #tpu.memory_space<vmem>>, vector<2x1000x128xf32>
    tpu.vector_store %arg6[%swap3A, %swap3A_33, %swap3A_34], %stack3A_32 {strides = array<i32>} : memref<2x1000x128xf32, #tpu.memory_space<vmem>>, vector<2x1000x128xf32>,
    return
  }
  func.func @transform_0(%arg0: i32) -> (i32, i32, i32) {
    %c0_i32 = arith.constant 0 : i32
    %c0_i32_0 = arith.constant 0 : i32
    %c0_i32_1 = arith.constant 0 : i32
    return %c0_i32, %arg0, %c0_i32_0 : i32, i32, i32
  }
  func.func @transform_1(%arg0: i32) -> (i32, i32) {
    %c0_i32 = arith.constant 0 : i32
    %c0_i32_0 = arith.constant 0 : i32
    return %arg0, %c0_i32 : i32, i32
  }
  func.func @transform_2(%arg0: i32) -> (i32, i32) {
    %c0_i32 = arith.constant 0 : i32
    %c0_i32_0 = arith.constant 0 : i32
    return %arg0, %c0_i32 : i32, i32
  }
  func.func @transform_3(%arg0: i32) -> (i32, i32) {
    %c0_i32 = arith.constant 0 : i32
    %c0_i32_0 = arith.constant 0 : i32
    %c0_i32_1 = arith.constant 0 : i32
    return %c0_i32, %c0_i32_0 : i32, i32
  }
  func.func @transform_4(%arg0: i32) -> (i32, i32) {
    %c0_i32 = arith.constant 0 : i32
    %c0_i32_0 = arith.constant 0 : i32
    %c0_i32_1 = arith.constant 0 : i32
    return %c0_i32, %c0_i32_0 : i32, i32
  }
  func.func @transform_5(%arg0: i32) -> (i32, i32, i32) {
    %c0_i32 = arith.constant 0 : i32
    %c0_i32_0 = arith.constant 0 : i32
    %c0_i32_1 = arith.constant 0 : i32
    return %c0_i32, %arg0, %c0_i32_0 : i32, i32, i32
  }
}

module attributes {stable_mosaic.version = 14 : i64} {
  func.func @_l2_body(%arg0: i32, %arg1: memref<2x1000x128xf32, #tpu.memory_space<vmem>>, %arg2: memref<2x1000x128xf32, #tpu.memory_space<vmem>>, %arg3: memref<1000x1xf32, #tpu.memory_space<vmem>>, %arg4: memref<256x384xf32, #tpu.memory_space<vmem>>, %arg5: memref<1x384xf32, #tpu.memory_space<vmem>>, %arg6: memref<384x16xf32, #tpu.memory_space<vmem>>, %arg7: memref<1000x1xf32, #tpu.memory_space<vmem>>) attributes {dimension_semantics = [#tpu.dimension_semantics<arbitrary>], iteration_bounds = array<i64: 10>, scalar_prefetch = 0 : i64, scratch_operands = 0 : i64, tpu.core_type = #tpu.core_type<tc>, window_params = [{transform_indices = @transform_0, window_bounds = array<i64: 2, 1000, 128>}, {transform_indices = @transform_1, window_bounds = array<i64: 2, 1000, 128>}, {transform_indices = @transform_2, window_bounds = array<i64: 1000, 1>}, {pipeline_mode = #tpu.pipeline_mode<synchronous>, transform_indices = @transform_3, window_bounds = array<i64: 256, 384>}, {pipeline_mode = #tpu.pipeline_mode<synchronous>, transform_indices = @transform_4, window_bounds = array<i64: 1, 384>}, {pipeline_mode = #tpu.pipeline_mode<synchronous>, transform_indices = @transform_5, window_bounds = array<i64: 384, 16>}, {transform_indices = @transform_6, window_bounds = array<i64: 1000, 1>}]} {
    %get3A = arith.constant 0 : index
    %get3A_0 = arith.constant 0 : index
    %get3A_1 = vector.load %arg3[%get3A, %get3A_0] : memref<1000x1xf32, #tpu.memory_space<vmem>>, vector<1000x1xf32>
    %broadcast_in_dim3A = vector.shape_cast %get3A_1 : vector<1000x1xf32> to vector<1x1000x1xf32>
    %get3A_2 = arith.constant 0 : index
    %get3A_3 = arith.constant 0 : index
    %get3A_4 = arith.constant 0 : index
    %get3A_5 = vector.load %arg1[%get3A_2, %get3A_3, %get3A_4] : memref<2x1000x128xf32, #tpu.memory_space<vmem>>, vector<2x1000x128xf32>
    %get3A_6 = arith.constant 0 : index
    %get3A_7 = arith.constant 0 : index
    %get3A_8 = arith.constant 0 : index
    %get3A_9 = vector.load %arg2[%get3A_6, %get3A_7, %get3A_8] : memref<2x1000x128xf32, #tpu.memory_space<vmem>>, vector<2x1000x128xf32>
    %add3A = arith.addf %get3A_5, %get3A_9 : vector<2x1000x128xf32>
    %mul3A = vector.broadcast %broadcast_in_dim3A : vector<1x1000x1xf32> to vector<2x1000x128xf32>
    %mul3A_10 = arith.mulf %mul3A, %add3A : vector<2x1000x128xf32>
    %slice3A = vector.extract_strided_slice %mul3A_10 {offsets = [0, 0, 0], sizes = [1, 1000, 128], strides = [1, 1, 1]} : vector<2x1000x128xf32> to vector<1x1000x128xf32>
    %squeeze3A = vector.shape_cast %slice3A : vector<1x1000x128xf32> to vector<1000x128xf32>
    %slice3A_11 = vector.extract_strided_slice %mul3A_10 {offsets = [1, 0, 0], sizes = [1, 1000, 128], strides = [1, 1, 1]} : vector<2x1000x128xf32> to vector<1x1000x128xf32>
    %squeeze3A_12 = vector.shape_cast %slice3A_11 : vector<1x1000x128xf32> to vector<1000x128xf32>
    %concatenate3A = tpu.concatenate %squeeze3A, %squeeze3A_12 in 1 : vector<1000x128xf32>, vector<1000x128xf32> -> vector<1000x256xf32>
    %get3A_13 = arith.constant 0 : index
    %get3A_14 = arith.constant 0 : index
    %get3A_15 = vector.load %arg4[%get3A_13, %get3A_14] : memref<256x384xf32, #tpu.memory_space<vmem>>, vector<256x384xf32>
    %dot_general3A = arith.constant dense<0.000000e+00> : vector<1000x384xf32>
    %dot_general3A_16 = tpu.matmul %concatenate3A, %get3A_15, %dot_general3A {dimension_numbers = #tpu.dot_dimension_numbers<[1], [0], [0], [1], [0, 0, 1, 1], [], []>, transpose_lhs_hint = false} : vector<1000x256xf32>, vector<256x384xf32>, vector<1000x384xf32> -> vector<1000x384xf32>
    %get3A_17 = arith.constant 0 : index
    %get3A_18 = arith.constant 0 : index
    %get3A_19 = vector.load %arg5[%get3A_17, %get3A_18] : memref<1x384xf32, #tpu.memory_space<vmem>>, vector<1x384xf32>
    %add3A_20 = vector.broadcast %get3A_19 : vector<1x384xf32> to vector<1000x384xf32>
    %add3A_21 = arith.addf %dot_general3A_16, %add3A_20 : vector<1000x384xf32>
    %max3A = arith.constant 0.000000e+00 : f32
    %max3A_22 = vector.broadcast %max3A : f32 to vector<1000x384xf32>
    %max3A_23 = arith.maximumf %add3A_21, %max3A_22 : vector<1000x384xf32>
    %get3A_24 = arith.constant 0 : index
    %get3A_25 = arith.constant 0 : index
    %get3A_26 = vector.load %arg6[%get3A_24, %get3A_25] : memref<384x16xf32, #tpu.memory_space<vmem>>, vector<384x16xf32>
    %dot_general3A_27 = arith.constant dense<0.000000e+00> : vector<1000x16xf32>
    %dot_general3A_28 = tpu.matmul %max3A_23, %get3A_26, %dot_general3A_27 {dimension_numbers = #tpu.dot_dimension_numbers<[1], [0], [0], [1], [0, 0, 1, 1], [], []>, transpose_lhs_hint = false} : vector<1000x384xf32>, vector<384x16xf32>, vector<1000x16xf32> -> vector<1000x16xf32>
    %mul3A_29 = vector.broadcast %get3A_1 : vector<1000x1xf32> to vector<1000x16xf32>
    %mul3A_30 = arith.mulf %mul3A_29, %dot_general3A_28 : vector<1000x16xf32>
    %slice3A_31 = vector.extract_strided_slice %mul3A_30 {offsets = [0, 0], sizes = [1000, 1], strides = [1, 1]} : vector<1000x16xf32> to vector<1000x1xf32>
    %swap3A = arith.constant 0 : index
    %swap3A_32 = arith.constant 0 : index
    %swap3A_33 = vector.load %arg7[%swap3A, %swap3A_32] : memref<1000x1xf32, #tpu.memory_space<vmem>>, vector<1000x1xf32>
    tpu.vector_store %arg7[%swap3A, %swap3A_32], %slice3A_31 {strides = array<i32>} : memref<1000x1xf32, #tpu.memory_space<vmem>>, vector<1000x1xf32>,
    return
  }
  func.func @transform_0(%arg0: i32) -> (i32, i32, i32) {
    %c0_i32 = arith.constant 0 : i32
    %c0_i32_0 = arith.constant 0 : i32
    %c0_i32_1 = arith.constant 0 : i32
    return %c0_i32, %arg0, %c0_i32_0 : i32, i32, i32
  }
  func.func @transform_1(%arg0: i32) -> (i32, i32, i32) {
    %c0_i32 = arith.constant 0 : i32
    %c0_i32_0 = arith.constant 0 : i32
    %c0_i32_1 = arith.constant 0 : i32
    return %c0_i32, %arg0, %c0_i32_0 : i32, i32, i32
  }
  func.func @transform_2(%arg0: i32) -> (i32, i32) {
    %c0_i32 = arith.constant 0 : i32
    %c0_i32_0 = arith.constant 0 : i32
    return %arg0, %c0_i32 : i32, i32
  }
  func.func @transform_3(%arg0: i32) -> (i32, i32) {
    %c0_i32 = arith.constant 0 : i32
    %c0_i32_0 = arith.constant 0 : i32
    %c0_i32_1 = arith.constant 0 : i32
    return %c0_i32, %c0_i32_0 : i32, i32
  }
  func.func @transform_4(%arg0: i32) -> (i32, i32) {
    %c0_i32 = arith.constant 0 : i32
    %c0_i32_0 = arith.constant 0 : i32
    %c0_i32_1 = arith.constant 0 : i32
    return %c0_i32, %c0_i32_0 : i32, i32
  }
  func.func @transform_5(%arg0: i32) -> (i32, i32) {
    %c0_i32 = arith.constant 0 : i32
    %c0_i32_0 = arith.constant 0 : i32
    %c0_i32_1 = arith.constant 0 : i32
    return %c0_i32, %c0_i32_0 : i32, i32
  }
  func.func @transform_6(%arg0: i32) -> (i32, i32) {
    %c0_i32 = arith.constant 0 : i32
    %c0_i32_0 = arith.constant 0 : i32
    return %arg0, %c0_i32 : i32, i32
  }
}

module attributes {stable_mosaic.version = 14 : i64} {
  func.func @_fin_body(%arg0: i32, %arg1: memref<1000x32xf32, #tpu.memory_space<vmem>>, %arg2: memref<1000x1xf32, #tpu.memory_space<vmem>>, %arg3: memref<1000x1xf32, #tpu.memory_space<vmem>>, %arg4: memref<1x1xf32, #tpu.memory_space<vmem>>, %arg5: memref<1000x1xf32, #tpu.memory_space<vmem>>) attributes {dimension_semantics = [#tpu.dimension_semantics<arbitrary>], iteration_bounds = array<i64: 10>, scalar_prefetch = 0 : i64, scratch_operands = 0 : i64, tpu.core_type = #tpu.core_type<tc>, window_params = [{transform_indices = @transform_0, window_bounds = array<i64: 1000, 32>}, {transform_indices = @transform_1, window_bounds = array<i64: 1000, 1>}, {transform_indices = @transform_2, window_bounds = array<i64: 1000, 1>}, {pipeline_mode = #tpu.pipeline_mode<synchronous>, transform_indices = @transform_3, window_bounds = array<i64: 1, 1>}, {transform_indices = @transform_4, window_bounds = array<i64: 1000, 1>}]} {
    %get3A = arith.constant 0 : index
    %get3A_0 = arith.constant 0 : index
    %get3A_1 = vector.load %arg1[%get3A, %get3A_0] : memref<1000x32xf32, #tpu.memory_space<vmem>>, vector<1000x32xf32>
    %reduce_sum3A = arith.constant dense<0.000000e+00> : vector<1000xf32>
    %reduce_sum3A_2 = vector.multi_reduction <add>, %get3A_1, %reduce_sum3A [1] : vector<1000x32xf32> to vector<1000xf32>
    %get3A_3 = arith.constant 0 : index
    %get3A_4 = arith.constant 0 : index
    %get3A_5 = vector.load %arg3[%get3A_3, %get3A_4] : memref<1000x1xf32, #tpu.memory_space<vmem>>, vector<1000x1xf32>
    %get3A_6 = vector.shape_cast %get3A_5 : vector<1000x1xf32> to vector<1000xf32>
    %get3A_7 = arith.constant 0 : index
    %get3A_8 = arith.constant 0 : index
    %get3A_9 = vector.load %arg2[%get3A_7, %get3A_8] : memref<1000x1xf32, #tpu.memory_space<vmem>>, vector<1000x1xf32>
    %get3A_10 = vector.shape_cast %get3A_9 : vector<1000x1xf32> to vector<1000xf32>
    %add3A = arith.addf %reduce_sum3A_2, %get3A_10 : vector<1000xf32>
    %mul3A = arith.mulf %get3A_6, %add3A : vector<1000xf32>
    %get3A_11 = arith.constant 0 : index
    %get3A_12 = arith.constant 0 : index
    %get3A_13 = vector.load %arg4[%get3A_11, %get3A_12] : memref<1x1xf32, #tpu.memory_space<vmem>>, vector<1x1xf32>
    %get3A_14 = vector.extract %get3A_13[0, 0] : f32 from vector<1x1xf32>
    %add3A_15 = vector.broadcast %get3A_14 : f32 to vector<1000xf32>
    %add3A_16 = arith.addf %mul3A, %add3A_15 : vector<1000xf32>
    %broadcast_in_dim3A = vector.shape_cast %add3A_16 : vector<1000xf32> to vector<1000x1xf32>
    %swap3A = arith.constant 0 : index
    %swap3A_17 = arith.constant 0 : index
    %swap3A_18 = vector.load %arg5[%swap3A, %swap3A_17] : memref<1000x1xf32, #tpu.memory_space<vmem>>, vector<1000x1xf32>
    tpu.vector_store %arg5[%swap3A, %swap3A_17], %broadcast_in_dim3A {strides = array<i32>} : memref<1000x1xf32, #tpu.memory_space<vmem>>, vector<1000x1xf32>,
    return
  }
  func.func @transform_0(%arg0: i32) -> (i32, i32) {
    %c0_i32 = arith.constant 0 : i32
    %c0_i32_0 = arith.constant 0 : i32
    return %arg0, %c0_i32 : i32, i32
  }
  func.func @transform_1(%arg0: i32) -> (i32, i32) {
    %c0_i32 = arith.constant 0 : i32
    %c0_i32_0 = arith.constant 0 : i32
    return %arg0, %c0_i32 : i32, i32
  }
  func.func @transform_2(%arg0: i32) -> (i32, i32) {
    %c0_i32 = arith.constant 0 : i32
    %c0_i32_0 = arith.constant 0 : i32
    return %arg0, %c0_i32 : i32, i32
  }
  func.func @transform_3(%arg0: i32) -> (i32, i32) {
    %c0_i32 = arith.constant 0 : i32
    %c0_i32_0 = arith.constant 0 : i32
    %c0_i32_1 = arith.constant 0 : i32
    return %c0_i32, %c0_i32_0 : i32, i32
  }
  func.func @transform_4(%arg0: i32) -> (i32, i32) {
    %c0_i32 = arith.constant 0 : i32
    %c0_i32_0 = arith.constant 0 : i32
    return %arg0, %c0_i32 : i32, i32
  }
}

</mosaic_0001>

<sc_bundles>
// kernel: kernel.10.cloned.1.call-start
scs
__scs_entry_jumppad:
0x0: {  	(pc) =	sbr.rel $0x88, $3  }
0x1: {  	(tag) =	ssettag $0x0;
	lr =	simm.s32 $0x1  }
0x2: {  	[smem:$0x3F98] =	sst lr;
	_ =	strace $0xD0000000  }
0x3: {  	_ = 	snop  }
0x4: {  	_ = 	snop  }
0x5: {  	_ = 	snop  }
0x6: {  	_ = 	snop  }
0x7: {  	_ = 	snop  }
__scs_overlays_trampoline_lowered:
0x8: {  	[smem:$0x3FA7] =	sst s0  }
0x9: {  	[smem:$0x3FA8] =	sst s1  }
0xa: {  	[smem:$0x3FA9] =	sst s2  }
0xb: {  	[smem:$0x3FAA] =	sst s3  }
0xc: {  	[smem:$0x3FAB] =	sst s4  }
0xd: {  	[smem:$0x3FAC] =	sst s5  }
0xe: {  	[smem:$0x3FAD] =	sst s6  }
0xf: {  	[smem:$0x3FAE] =	sst s7  }
0x10: {  	[smem:$0x3FAF] =	sst s8  }
0x11: {  	[smem:$0x3FB0] =	sst s9;
	s0 =	simm.s32 @!p0 $0x0  }
0x12: {  	s1 =	sld [smem:$0x3F96];
	s0 =	simm.s32 @p0 $0x1  }
0x13: {  	[smem:$0x3FB1] =	sst s0;
	s0 =	simm.s32 @!p1 $0x0  }
0x14: {  	s2 =	sld [smem:$0x3F95];
	s0 =	simm.s32 @p1 $0x1  }
0x15: {  	[smem:$0x3FB2] =	sst s0;
	s0 =	simm.s32 @!p2 $0x0  }
0x16: {  	s3 =	sld [smem:$0x3FDB];
	s0 =	simm.s32 @p2 $0x1  }
0x17: {  	s4 =	simm.s32 $0x1BF5;
	[smem:$0x3FB4] =	sst s0  }
0x18: {  	s0 =	sld [smem:$0x3F97];
	_ =	swait.ge [sflag:s4], $0x0  }
0x19: {  	s7 =	sld [smem:$0x3F98]  }
0x1a: {  	s8 =	sadd.s32 $0xFFFFE003, lr  }
0x1b: {  	s9 =	sadd.s32 $0xFFFFFEF7, lr;
	s5 =	simm.s32 $0xFFFFFFFF;
	p2 =	slt.u32 s8, $0xFFFFF086  }
0x1c: {  	p1 =	slt.u32 s9, $0xF7A;
	s5 =	simm.s32 @!p2 $0x0  }
0x1d: {  	s5 =	simm.s32 @p1 $0x1;
	p0 =	seq.s32 s7, s2  }
0x1e: {  	s7 =	smul.u32 @!p0 $0xF7A, s2;
	p2 =	seq.s32 @!p0 s5, $0x0  }
0x1f: {  	s9 =	smul.u32 $0xF7A, s1;
	s8 =	simm.s32 @!p0 $0x1BF5;
	p2 =	por !p2, p0  }
0x20: {  	[sflag:s8] =	ssyncset.s32 @!p0 $0xFFFFF086;
	s6 =	sadd.s32 @!p0 s3, s7;
	s7 =	simm.s32 @!p0 $0x108  }
0x21: {  	s3 =	sadd.s32 s3, s9;
	s6 =	sadd.s32 @!p0 $0x88, s6;
	s7 =	simm.s32 @p2 $0x1082  }
0x22: {  	[simem:s7], [sflag:s8] =	dma.local @!p0 [hbm:s6], $0xF7A  }
0x23: {  	s9 =	sor.u32 $0xD0000000, s2;
	s6 =	simm.s32 $0x108;
	_ =	swait.ge @!p0 [sflag:s8], $0x0  }
0x24: {  	s3 =	sadd.s32 $0x88, s3;
	s6 =	simm.s32 @!p1 $0x1082;
	[sflag:s4] =	ssyncset.s32 $0xFFFFF086  }
0x25: {  	[simem:s6], [sflag:s4] =	dma.local [hbm:s3], $0xF7A  }
0x26: {  	[smem:$0x3F98] =	sst s1;
	(tag) =	ssettag s2;
	_ =	strace s9  }
0x27: {  	s1 =	sld [smem:$0x3FA8]  }
0x28: {  	s2 =	sld [smem:$0x3FA9]  }
0x29: {  	s4 =	sld [smem:$0x3FAB]  }
0x2a: {  	p0 =	seq.s32 s5, $0x0;
	s5 =	sld [smem:$0x3FAC]  }
0x2b: {  	s6 =	sld [smem:$0x3FAD]  }
0x2c: {  	s7 =	sld [smem:$0x3FAE]  }
0x2d: {  	s3 =	simm.s32 $0x108;
	s8 =	sld [smem:$0x3FAF]  }
0x2e: {  	s3 =	simm.s32 @!p0 $0x1082;
	s9 =	sld [smem:$0x3FB0]  }
0x2f: {  	lr =	sadd.s32 s0, s3;
	s0 =	sld [smem:$0x3FA7]  }
0x30: {  	s3 =	sld [smem:$0x3FAA]  }
0x31: {  	[smem:$0x3FB3] =	sst s10  }
0x32: {  	s10 =	sld [smem:$0x3FB1];
	_ =	sdelay $0x3  }
0x33: {  	p0 =	seq.s32 s10, $0x1;
	s10 =	sld [smem:$0x3FB3];
	_ =	sdelay $0x3  }
0x34: {  	[smem:$0x3FB3] =	sst s10  }
0x35: {  	s10 =	sld [smem:$0x3FB2];
	_ =	sdelay $0x3  }
0x36: {  	p1 =	seq.s32 s10, $0x1;
	s10 =	sld [smem:$0x3FB3];
	_ =	sdelay $0x3  }
0x37: {  	[smem:$0x3FB3] =	sst s10  }
0x38: {  	s10 =	sld [smem:$0x3FB4]  }
0x39: {  	_ = 	snop;
	(pc) =	sbr.ind lr, $3  }
0x3a: {  	_ = 	snop  }
0x3b: {  	_ = 	snop  }
0x3c: {  	p2 =	seq.s32 s10, $0x1;
	s10 =	sld [smem:$0x3FB3]  }
0x3d: {  	_ =	shalt  }
0x3e: {  	_ =	shalt  }
0x3f: {  	_ =	shalt  }
0x40: {  	_ =	shalt  }
0x41: {  	_ =	shalt  }
0x42: {  	_ =	shalt  }
0x43: {  	_ =	shalt  }
0x44: {  	_ =	shalt  }
0x45: {  	_ =	shalt  }
0x46: {  	_ =	shalt  }
0x47: {  	_ =	shalt  }
0x48: {  	_ =	shalt  }
0x49: {  	_ =	shalt  }
0x4a: {  	_ =	shalt  }
0x4b: {  	_ =	shalt  }
0x4c: {  	_ =	shalt  }
0x4d: {  	_ =	shalt  }
0x4e: {  	_ =	shalt  }
0x4f: {  	_ =	shalt  }
0x50: {  	_ =	shalt  }
0x51: {  	_ =	shalt  }
0x52: {  	_ =	shalt  }
0x53: {  	_ =	shalt  }
0x54: {  	_ =	shalt  }
0x55: {  	_ =	shalt  }
0x56: {  	_ =	shalt  }
0x57: {  	_ =	shalt  }
0x58: {  	_ =	shalt  }
0x59: {  	_ =	shalt  }
0x5a: {  	_ =	shalt  }
0x5b: {  	_ =	shalt  }
0x5c: {  	_ =	shalt  }
0x5d: {  	_ =	shalt  }
0x5e: {  	_ =	shalt  }
0x5f: {  	_ =	shalt  }
0x60: {  	_ =	shalt  }
0x61: {  	_ =	shalt  }
0x62: {  	_ =	shalt  }
0x63: {  	_ =	shalt  }
0x64: {  	_ =	shalt  }
0x65: {  	_ =	shalt  }
0x66: {  	_ =	shalt  }
0x67: {  	_ =	shalt  }
0x68: {  	_ =	shalt  }
0x69: {  	_ =	shalt  }
0x6a: {  	_ =	shalt  }
0x6b: {  	_ =	shalt  }
0x6c: {  	_ =	shalt  }
0x6d: {  	_ =	shalt  }
0x6e: {  	_ =	shalt  }
0x6f: {  	_ =	shalt  }
0x70: {  	_ =	shalt  }
0x71: {  	_ =	shalt  }
0x72: {  	_ =	shalt  }
0x73: {  	_ =	shalt  }
0x74: {  	_ =	shalt  }
0x75: {  	_ =	shalt  }
0x76: {  	_ =	shalt  }
0x77: {  	_ =	shalt  }
0x78: {  	_ =	shalt  }
0x79: {  	_ =	shalt  }
0x7a: {  	_ =	shalt  }
0x7b: {  	_ =	shalt  }
0x7c: {  	_ =	shalt  }
0x7d: {  	_ =	shalt  }
0x7e: {  	_ =	shalt  }
0x7f: {  	_ =	shalt  }
0x80: {  	_ =	shalt  }
0x81: {  	_ =	shalt  }
0x82: {  	_ =	shalt  }
0x83: {  	_ =	shalt  }
0x84: {  	_ =	shalt  }
0x85: {  	_ =	shalt  }
0x86: {  	_ =	shalt  }
0x87: {  	_ =	shalt  }
.Lfunc_end0:
.L_simem_size_0:
called_computation_lowered:
.L_overlay_start_0:
0x88: {  	s2 =	sld [smem:$0x3FD9]  }
0x89: {  	s3 =	sld [smem:$0x3FFE];
	_ =	sdelay $0x1  }
0x8a: {  	s1 =	srdreg.scid  }
0x8b: {  	s0 =	sand.u32 $0x1, s1  }
0x8c: {  	s17 =	sshll.u32 s0, $0xA;
	s2 =	sadd.s32 s3, s2  }
0x8d: {  	s2 =	sadd.s32 s2, s17  }
0x8e: {  	[smem:$0x3FBF] =	sst s2  }
0x8f: {  	_ = 	snop  }
0x90: {  	s2 =	sld [smem:$0x3FC7];
	(tm) =	ssettm $0x1  }
0x91: {  	s18 =	sld [smem:$0x3FFB];
	_ =	sdelay $0x3  }
0x92: {  	_ =	strace s18  }
0x93: {  	s3 =	sld [smem:$0x3FFC];
	_ =	sdelay $0x3  }
0x94: {  	_ =	strace s3  }
0x95: {  	s3 =	sld [smem:$0x3FFD];
	_ =	sdelay $0x3  }
0x96: {  	_ =	strace s3  }
0x97: {  	_ =	strace $0x8FFFFFFF  }
0x98: {  	s19 =	sld [smem:$0x3FDB];
	_ =	sdelay $0x1  }
0x99: {  	s4 =	simm.s32 $_scs_section_size  }
0x9a: {  	s5 =	simm.s32 $_size__tile_overlayer_lowered;
	s6 =	simm.s32 $_tile_overlayer_lowered  }
0x9b: {  	s22 =	simm.s32 $0x1BFF;
	s21 =	sshll.u32 s6, $0x1;
	s3 =	sadd.s32 s4, s19  }
0x9c: {  	s7 =	simm.s32 $0x0;
	s20 =	sshll.u32 s5, $0x1;
	s5 =	sadd.s32 s21, s3  }
0x9d: {  	[timem:s7], [sflag:s22] =	dma.local [hbm:s5], s20  }
0x9e: {  	_ =	swait.ge [sflag:s22], s20  }
0x9f: {  	s4 =	ssub.s32 $0x0, s20;
	[sflag:s22] =	ssyncset.done $0x0  }
0xa0: {  	[sflag:s22] =	ssyncadd.s32 s4;
	_ =	sdelay $0x1  }
0xa1: {  	s23 =	simm.s32 $0x1B8B  }
0xa2: {  	_ =	swait.ge [sflag:s23], $0x1  }
0xa3: {  	[sflag:s23] =	ssyncset.done $0x0  }
0xa4: {  	s25 =	simm.s32 $0x1B8E;
	s24 =	sld [smem:$0x3FFE];
	[sflag:s23] =	ssyncadd.s32 $0xFFFFFFFF  }
0xa5: {  	s26 =	simm.s32 $execute0_lowered;
	[smem:$0x3FD2] =	sst s25  }
0xa6: {  	s5 =	sshll.u32 s26, $0x1;
	_ =	strace $0x80000046;
	[dreg:$0x1] =	wrdreg $0xFFFFFFFF  }
0xa7: {  	s28 =	simm.s32 $_size_execute0_lowered;
	s3 =	sadd.s32 s3, s5;
	[dreg:$0x0] =	wrdreg $0x0  }
0xa8: {  	s5 =	sshll.u32 s28, $0x1;
	[dreg:$0x2] =	wrdreg s3  }
0xa9: {  	[dreg:$0x3] =	wrdreg s5  }
0xaa: {  	[dreg:$0x4] =	wrdreg $0xC0  }
0xab: {  	_ =	task [dreg:s7], $0x5FFFF  }
0xac: {  	[dreg:$0x1] =	wrdreg $0xFFFFFFFF  }
0xad: {  	[dreg:$0x0] =	wrdreg $0x60  }
0xae: {  	[dreg:$0x2] =	wrdreg s24  }
0xaf: {  	[dreg:$0x3] =	wrdreg s2  }
0xb0: {  	[dreg:$0x4] =	wrdreg $0x9  }
0xb1: {  	_ =	task.clear_ibuf [dreg:s7], $0x5FFFF;
	_ =	strace $0x90000046  }
0xb2: {  	s29 =	simm.s32 $0x9;
	_ =	strace $0x80000048  }
0xb3: {  	_ =	swait.ge [sflag:s29], $0x1  }
0xb4: {  	[sflag:s29] =	ssyncadd.s32 $0xFFFFFFFF  }
0xb5: {  	_ =	strace $0x90000048  }
0xb6: {  	_ =	sfence  }
0xb7: {  	s30 =	sld [smem:$0x0];
	_ =	sdelay $0x2  }
0xb8: {  	s31 =	sshll.u32 s1, $0xD;
	s1 =	sshrl.u32 s1, $0x2  }
0xb9: {  	s3 =	sand.u32 $0x4000, s31;
	s1 =	sadd.s32 s1, s30  }
0xba: {  	s0 =	sor.u32 s3, s0;
	s1 =	sshll.u32 s1, $0x11  }
0xbb: {  	s0 =	sor.u32 s1, s0  }
0xbc: {  	s0 =	sadd.s32 $0x8F2B, s0  }
0xbd: {  	[sflag:s0] =	ssyncadd.remote.s32 $0x1  }
0xbe: {  	_ =	sfence.sel $0xFFFF  }
0xbf: {  	[dreg:$0x0] =	wrdreg $0xFFFFFFFF;
	(pc) =	sbr.abs _section_cstart, $3  }
0xc0: {  	[dreg:$0x1] =	wrdreg $0xFFFFFFFF  }
0xc1: {  	_ =	task.clear_ibuf [dreg:s7], $0x2FFFF;
	_ =	strace $0x9FFFFFFF  }
0xc2: {  	(tm) =	ssettm $0x7FFFFFFF  }
0xc3: {  	_ =	shalt  }
tec
execute0_lowered:
.L_overlay_start_1:
0x0: {  	(tag) =	ssettag $0x1  }
0x1: {  	s0 =	srdreg.scid  }
0x2: {  	s6 =	rddreg [dreg:$0x0];
	s5 =	sand.u32 $0x1, s0  }
0x3: {  	s2 =	rddreg [dreg:$0x1];
	s0 =	stileid.u32;
	s1 =	sshll.u32 s5, $0x4  }
0x4: {  	s3 =	simm.s32 $0x0;
	s10 =	simm.s32 $0x2F80;
	s4 =	sor.u32 s0, s1  }
0x5: {  	s11 =	simm.s32 $0x0;
	[smem:$0x7FF] =	sst s3;
	s4 =	smul.u32 $0x2710, s4  }
0x6: {  	s7 =	ssub.s32 $0x2, s5;
	s5 =	sadd.s32 $0xC600, s6;
	s1 =	rddreg [dreg:$0x2]  }
0x7: {  	_ =	strace $0x80000047;
	s9 =	sshrl.u32 s7, $0x1;
	s8 =	sshrl.u32 s4, $0x3  }
0x8: {  	s7 =	ssub.s32 s7, s9;
	s9 =	simm.s32 $0x1;
	s6 =	sadd.s32 s8, s6  }
0x9: {  	v0 =	vimm.f32 $0.0e+00;
	s7 =	smax.u32 s7, $0x1;
	s8 =	simm.s32 $0x2780;
	s6 =	sadd.s32 $0x16400, s6  }
.LBB2_1:
0xa: {  	s12 =	simm.s32 $0x40;
	s13 =	simm.s32 $0x0  }
.LBB2_2:
0xb: {  	p0 =	sne.s32 s12, $0x9C00;
	[tilespmem:s13+$0x0] =	vst v0;
	s13 =	smov.u32 s12;
	s12 =	sadd.s32 $0x40, s12  }
.Ltmp0:
0xc: {  	(pc) =	sbr.rel @p0 .LBB2_2-.Ltmp0, $2  }
0xd: {  	_ =	sdelay $0x2  }
0xe: {  	s13 =	sshra.s32 s13, $0x2  }
0xf: {  	[tilespmem:s13+$0x0] =	vst v0;
	s12 =	simm.s32 $0x0;
	s13 =	simm.s32 $0x0  }
.LBB2_4:
0x10: {  	s14 =	smul.u32 $0x7D0, s13;
	_ =	sdelay $0x1  }
0x11: {  	s14 =	sadd.s32 s4, s14  }
0x12: {  	s14 =	sshrl.u32 s14, $0x3  }
0x13: {  	s15 =	sadd.s32 s5, s14  }
0x14: {  	[tilespmem:s8], [sflag:$0x1] =	stream.linear.gather [hbm4b:s15+s12], $0x7D0, $0x38;
	[tilespmem:$0x3780] =	vst v63  }
0x15: {  	_ =	swait.ge [sflag:s9], $0x7D0  }
0x16: {  	[sflag:s9] =	ssyncset.done $0x0  }
0x17: {  	s14 =	sadd.s32 s2, s14;
	[sflag:s9] =	ssyncadd.s32 $0xFFFFF830  }
0x18: {  	[tilespmem:s10], [sflag:$0x1] =	stream.linear.gather [hbm4b:s14+s12], $0x7D0, $0x38;
	[tilespmem:$0x3780] =	vst v63  }
0x19: {  	_ =	swait.ge [sflag:s9], $0x7D0  }
0x1a: {  	[sflag:s9] =	ssyncset.done $0x0  }
0x1b: {  	s15 =	simm.s32 $0x0;
	s14 =	simm.s32 $0x40;
	[sflag:s9] =	ssyncadd.s32 $0xFFFFF830  }
.LBB2_5:
0x1c: {  	p0 =	sne.s32 s14, $0x1F00;
	v1 =	vld [tilespmem:s15+$0x2780];
	_ =	sdelay $0x2  }
0x1d: {  	v2 =	vld [tilespmem:s15+$0x2F80]  }
.Ltmp1:
0x1e: {  	(pc) =	sbr.rel @p0 .LBB2_5-.Ltmp1, $2  }
0x1f: {  	_ =	sdelay $0x2  }
0x20: {  	s15 =	sshra.s32 s14, $0x2;
	s14 =	sadd.s32 $0x40, s14;
	[tilespmem:v1+s3+$0x0] =	vst.idx.add.f32.msk $0xffff, v2  }
0x21: {  	v1 =	vld [tilespmem:s15+$0x2780];
	_ =	sdelay $0x1  }
0x22: {  	s13 =	sadd.s32 $0x1, s13  }
0x23: {  	v2 =	vld [tilespmem:s15+$0x2F80];
	p0 =	sne.s32 s13, $0x5  }
.Ltmp2:
0x24: {  	_ = 	snop;
	(pc) =	sbr.rel @p0 .LBB2_4-.Ltmp2, $2  }
0x25: {  	_ =	sdelay $0x2  }
0x26: {  	[tilespmem:v1+s3+$0x0] =	vst.idx.add.f32.msk $0xffff, v2  }
0x27: {  	s11 =	sadd.s32 $0x1, s11  }
0x28: {  	p0 =	sne.s32 s11, s7  }
.Ltmp3:
0x29: {  	_ = 	snop;
	(pc) =	sbr.rel @p0 .LBB2_1-.Ltmp3, $4  }
0x2a: {  	[hbm4b:s6+s3] =	stream.linear.scatter [tilespmem:s3], [sflag:$0x1], $0x2710, $0x38;
	[tilespmem:$0x3780] =	vst v63  }
0x2b: {  	_ =	swait.ge [sflag:s9], $0x2710  }
0x2c: {  	[sflag:s9] =	ssyncset.done $0x0  }
0x2d: {  	[sflag:s9] =	ssyncadd.s32 $0xFFFFD8F0  }
0x2e: {  	_ =	sfence.sel $0x180000  }
0x2f: {  	[bflag:$0x0] =	sbarrier.arrive $0xFFFF  }
0x30: {  	p0 =	sne.s32 s0, $0x0;
	_ =	strace $0x90000047  }
0x31: {  	s0 =	sadd.s32 @!p0 $0x100000, s1;
	[bflag:$0x2] =	sbarrier.arrive $0xFFFF  }
0x32: {  	[sflag:s0] =	ssyncadd.tile.s32 @!p0 $0x1;
	_ =	shalt  }
.Lfunc_end2:
_tile_overlayer_lowered:
.L_overlay_start_2:
0x33: {  	(tag) =	ssettag $0x2  }
0x34: {  	s0 =	rddreg [dreg:$0x0];
	s2 =	stileid.u32  }
0x35: {  	s1 =	rddreg [dreg:$0x1];
	p0 =	sne.s32 s2, $0x0  }
0x36: {  	s3 =	rddreg [dreg:$0x2];
	[bflag:$0x3] =	sbarrier.arrive $0xFFFF;
	s2 =	simm.s32 @!p0 $0x1C01  }
0x37: {  	[timem:s3], [sflag:s2] =	dma.local @!p0 [hbm:s0], s1  }
0x38: {  	s0 =	simm.s32 @!p0 $0x1  }
0x39: {  	_ =	swait.ge @!p0 [sflag:s0], s1  }
0x3a: {  	s1 =	ssub.s32 @!p0 $0x0, s1;
	[sflag:s0] =	ssyncset.done @!p0 $0x0  }
0x3b: {  	[sflag:s0] =	ssyncadd.s32 @!p0 s1  }
0x3c: {  	[bflag:$0x3] =	sbarrier.arrive $0xFFFF  }
0x3d: {  	_ =	shalt  }

// kernel: kernel.13.cloned.1.call-start
scs
__scs_entry_jumppad:
0x0: {  	(pc) =	sbr.rel $0x88, $3  }
0x1: {  	(tag) =	ssettag $0x0;
	lr =	simm.s32 $0x1  }
0x2: {  	[smem:$0x3F98] =	sst lr;
	_ =	strace $0xD0000000  }
0x3: {  	_ = 	snop  }
0x4: {  	_ = 	snop  }
0x5: {  	_ = 	snop  }
0x6: {  	_ = 	snop  }
0x7: {  	_ = 	snop  }
__scs_overlays_trampoline_lowered:
0x8: {  	[smem:$0x3FA7] =	sst s0  }
0x9: {  	[smem:$0x3FA8] =	sst s1  }
0xa: {  	[smem:$0x3FA9] =	sst s2  }
0xb: {  	[smem:$0x3FAA] =	sst s3  }
0xc: {  	[smem:$0x3FAB] =	sst s4  }
0xd: {  	[smem:$0x3FAC] =	sst s5  }
0xe: {  	[smem:$0x3FAD] =	sst s6  }
0xf: {  	[smem:$0x3FAE] =	sst s7  }
0x10: {  	[smem:$0x3FAF] =	sst s8  }
0x11: {  	[smem:$0x3FB0] =	sst s9;
	s0 =	simm.s32 @!p0 $0x0  }
0x12: {  	s1 =	sld [smem:$0x3F96];
	s0 =	simm.s32 @p0 $0x1  }
0x13: {  	[smem:$0x3FB1] =	sst s0;
	s0 =	simm.s32 @!p1 $0x0  }
0x14: {  	s2 =	sld [smem:$0x3F95];
	s0 =	simm.s32 @p1 $0x1  }
0x15: {  	[smem:$0x3FB2] =	sst s0;
	s0 =	simm.s32 @!p2 $0x0  }
0x16: {  	s3 =	sld [smem:$0x3FDB];
	s0 =	simm.s32 @p2 $0x1  }
0x17: {  	s4 =	simm.s32 $0x1BF5;
	[smem:$0x3FB4] =	sst s0  }
0x18: {  	s0 =	sld [smem:$0x3F97];
	_ =	swait.ge [sflag:s4], $0x0  }
0x19: {  	s7 =	sld [smem:$0x3F98]  }
0x1a: {  	s8 =	sadd.s32 $0xFFFFE003, lr  }
0x1b: {  	s9 =	sadd.s32 $0xFFFFFEF7, lr;
	s5 =	simm.s32 $0xFFFFFFFF;
	p2 =	slt.u32 s8, $0xFFFFF086  }
0x1c: {  	p1 =	slt.u32 s9, $0xF7A;
	s5 =	simm.s32 @!p2 $0x0  }
0x1d: {  	s5 =	simm.s32 @p1 $0x1;
	p0 =	seq.s32 s7, s2  }
0x1e: {  	s7 =	smul.u32 @!p0 $0xF7A, s2;
	p2 =	seq.s32 @!p0 s5, $0x0  }
0x1f: {  	s9 =	smul.u32 $0xF7A, s1;
	s8 =	simm.s32 @!p0 $0x1BF5;
	p2 =	por !p2, p0  }
0x20: {  	[sflag:s8] =	ssyncset.s32 @!p0 $0xFFFFF086;
	s6 =	sadd.s32 @!p0 s3, s7;
	s7 =	simm.s32 @!p0 $0x108  }
0x21: {  	s3 =	sadd.s32 s3, s9;
	s6 =	sadd.s32 @!p0 $0x88, s6;
	s7 =	simm.s32 @p2 $0x1082  }
0x22: {  	[simem:s7], [sflag:s8] =	dma.local @!p0 [hbm:s6], $0xF7A  }
0x23: {  	s9 =	sor.u32 $0xD0000000, s2;
	s6 =	simm.s32 $0x108;
	_ =	swait.ge @!p0 [sflag:s8], $0x0  }
0x24: {  	s3 =	sadd.s32 $0x88, s3;
	s6 =	simm.s32 @!p1 $0x1082;
	[sflag:s4] =	ssyncset.s32 $0xFFFFF086  }
0x25: {  	[simem:s6], [sflag:s4] =	dma.local [hbm:s3], $0xF7A  }
0x26: {  	[smem:$0x3F98] =	sst s1;
	(tag) =	ssettag s2;
	_ =	strace s9  }
0x27: {  	s1 =	sld [smem:$0x3FA8]  }
0x28: {  	s2 =	sld [smem:$0x3FA9]  }
0x29: {  	s4 =	sld [smem:$0x3FAB]  }
0x2a: {  	p0 =	seq.s32 s5, $0x0;
	s5 =	sld [smem:$0x3FAC]  }
0x2b: {  	s6 =	sld [smem:$0x3FAD]  }
0x2c: {  	s7 =	sld [smem:$0x3FAE]  }
0x2d: {  	s3 =	simm.s32 $0x108;
	s8 =	sld [smem:$0x3FAF]  }
0x2e: {  	s3 =	simm.s32 @!p0 $0x1082;
	s9 =	sld [smem:$0x3FB0]  }
0x2f: {  	lr =	sadd.s32 s0, s3;
	s0 =	sld [smem:$0x3FA7]  }
0x30: {  	s3 =	sld [smem:$0x3FAA]  }
0x31: {  	[smem:$0x3FB3] =	sst s10  }
0x32: {  	s10 =	sld [smem:$0x3FB1];
	_ =	sdelay $0x3  }
0x33: {  	p0 =	seq.s32 s10, $0x1;
	s10 =	sld [smem:$0x3FB3];
	_ =	sdelay $0x3  }
0x34: {  	[smem:$0x3FB3] =	sst s10  }
0x35: {  	s10 =	sld [smem:$0x3FB2];
	_ =	sdelay $0x3  }
0x36: {  	p1 =	seq.s32 s10, $0x1;
	s10 =	sld [smem:$0x3FB3];
	_ =	sdelay $0x3  }
0x37: {  	[smem:$0x3FB3] =	sst s10  }
0x38: {  	s10 =	sld [smem:$0x3FB4]  }
0x39: {  	_ = 	snop;
	(pc) =	sbr.ind lr, $3  }
0x3a: {  	_ = 	snop  }
0x3b: {  	_ = 	snop  }
0x3c: {  	p2 =	seq.s32 s10, $0x1;
	s10 =	sld [smem:$0x3FB3]  }
0x3d: {  	_ =	shalt  }
0x3e: {  	_ =	shalt  }
0x3f: {  	_ =	shalt  }
0x40: {  	_ =	shalt  }
0x41: {  	_ =	shalt  }
0x42: {  	_ =	shalt  }
0x43: {  	_ =	shalt  }
0x44: {  	_ =	shalt  }
0x45: {  	_ =	shalt  }
0x46: {  	_ =	shalt  }
0x47: {  	_ =	shalt  }
0x48: {  	_ =	shalt  }
0x49: {  	_ =	shalt  }
0x4a: {  	_ =	shalt  }
0x4b: {  	_ =	shalt  }
0x4c: {  	_ =	shalt  }
0x4d: {  	_ =	shalt  }
0x4e: {  	_ =	shalt  }
0x4f: {  	_ =	shalt  }
0x50: {  	_ =	shalt  }
0x51: {  	_ =	shalt  }
0x52: {  	_ =	shalt  }
0x53: {  	_ =	shalt  }
0x54: {  	_ =	shalt  }
0x55: {  	_ =	shalt  }
0x56: {  	_ =	shalt  }
0x57: {  	_ =	shalt  }
0x58: {  	_ =	shalt  }
0x59: {  	_ =	shalt  }
0x5a: {  	_ =	shalt  }
0x5b: {  	_ =	shalt  }
0x5c: {  	_ =	shalt  }
0x5d: {  	_ =	shalt  }
0x5e: {  	_ =	shalt  }
0x5f: {  	_ =	shalt  }
0x60: {  	_ =	shalt  }
0x61: {  	_ =	shalt  }
0x62: {  	_ =	shalt  }
0x63: {  	_ =	shalt  }
0x64: {  	_ =	shalt  }
0x65: {  	_ =	shalt  }
0x66: {  	_ =	shalt  }
0x67: {  	_ =	shalt  }
0x68: {  	_ =	shalt  }
0x69: {  	_ =	shalt  }
0x6a: {  	_ =	shalt  }
0x6b: {  	_ =	shalt  }
0x6c: {  	_ =	shalt  }
0x6d: {  	_ =	shalt  }
0x6e: {  	_ =	shalt  }
0x6f: {  	_ =	shalt  }
0x70: {  	_ =	shalt  }
0x71: {  	_ =	shalt  }
0x72: {  	_ =	shalt  }
0x73: {  	_ =	shalt  }
0x74: {  	_ =	shalt  }
0x75: {  	_ =	shalt  }
0x76: {  	_ =	shalt  }
0x77: {  	_ =	shalt  }
0x78: {  	_ =	shalt  }
0x79: {  	_ =	shalt  }
0x7a: {  	_ =	shalt  }
0x7b: {  	_ =	shalt  }
0x7c: {  	_ =	shalt  }
0x7d: {  	_ =	shalt  }
0x7e: {  	_ =	shalt  }
0x7f: {  	_ =	shalt  }
0x80: {  	_ =	shalt  }
0x81: {  	_ =	shalt  }
0x82: {  	_ =	shalt  }
0x83: {  	_ =	shalt  }
0x84: {  	_ =	shalt  }
0x85: {  	_ =	shalt  }
0x86: {  	_ =	shalt  }
0x87: {  	_ =	shalt  }
.Lfunc_end0:
.L_simem_size_0:
called_computation.1_lowered:
.L_overlay_start_0:
0x88: {  	s2 =	sld [smem:$0x3FD9]  }
0x89: {  	s3 =	sld [smem:$0x3FFE];
	_ =	sdelay $0x1  }
0x8a: {  	s1 =	srdreg.scid  }
0x8b: {  	s0 =	sand.u32 $0x1, s1  }
0x8c: {  	s16 =	sshll.u32 s0, $0xA;
	s2 =	sadd.s32 s3, s2  }
0x8d: {  	s2 =	sadd.s32 s2, s16  }
0x8e: {  	[smem:$0x3FBF] =	sst s2  }
0x8f: {  	_ = 	snop  }
0x90: {  	(tm) =	ssettm $0x1  }
0x91: {  	s17 =	sld [smem:$0x3FFB];
	_ =	sdelay $0x3  }
0x92: {  	_ =	strace s17  }
0x93: {  	s2 =	sld [smem:$0x3FFC];
	_ =	sdelay $0x3  }
0x94: {  	_ =	strace s2  }
0x95: {  	s2 =	sld [smem:$0x3FFD];
	_ =	sdelay $0x3  }
0x96: {  	_ =	strace s2  }
0x97: {  	_ =	strace $0x8FFFFFFF  }
0x98: {  	s18 =	sld [smem:$0x3FDB];
	_ =	sdelay $0x1  }
0x99: {  	s19 =	simm.s32 $_scs_section_size  }
0x9a: {  	s4 =	simm.s32 $_size__tile_overlayer_lowered;
	s5 =	simm.s32 $_tile_overlayer_lowered  }
0x9b: {  	s22 =	simm.s32 $0x1BFF;
	s21 =	sshll.u32 s5, $0x1;
	s2 =	sadd.s32 s19, s18  }
0x9c: {  	s6 =	simm.s32 $0x0;
	s20 =	sshll.u32 s4, $0x1;
	s4 =	sadd.s32 s21, s2  }
0x9d: {  	[timem:s6], [sflag:s22] =	dma.local [hbm:s4], s20  }
0x9e: {  	_ =	swait.ge [sflag:s22], s20  }
0x9f: {  	s3 =	ssub.s32 $0x0, s20;
	[sflag:s22] =	ssyncset.done $0x0  }
0xa0: {  	[sflag:s22] =	ssyncadd.s32 s3;
	_ =	sdelay $0x1  }
0xa1: {  	s23 =	simm.s32 $0x1B8B  }
0xa2: {  	_ =	swait.ge [sflag:s23], $0x1  }
0xa3: {  	[sflag:s23] =	ssyncset.done $0x0  }
0xa4: {  	s25 =	simm.s32 $0x1B8E;
	s24 =	sld [smem:$0x3FFE];
	[sflag:s23] =	ssyncadd.s32 $0xFFFFFFFF  }
0xa5: {  	s26 =	simm.s32 $execute0_lowered;
	[smem:$0x3FD2] =	sst s25  }
0xa6: {  	s4 =	sshll.u32 s26, $0x1;
	_ =	strace $0x80000049;
	[dreg:$0x1] =	wrdreg $0xFFFFFFFF  }
0xa7: {  	s28 =	simm.s32 $_size_execute0_lowered;
	s2 =	sadd.s32 s2, s4;
	[dreg:$0x0] =	wrdreg $0x0  }
0xa8: {  	s4 =	sshll.u32 s28, $0x1;
	[dreg:$0x2] =	wrdreg s2  }
0xa9: {  	[dreg:$0x3] =	wrdreg s4  }
0xaa: {  	[dreg:$0x4] =	wrdreg $0xC0  }
0xab: {  	_ =	task [dreg:s6], $0x5FFFF  }
0xac: {  	[dreg:$0x1] =	wrdreg $0xFFFFFFFF  }
0xad: {  	[dreg:$0x0] =	wrdreg $0x60  }
0xae: {  	[dreg:$0x2] =	wrdreg s24  }
0xaf: {  	[dreg:$0x3] =	wrdreg $0x0  }
0xb0: {  	[dreg:$0x4] =	wrdreg $0x9  }
0xb1: {  	_ =	task.clear_ibuf [dreg:s6], $0x5FFFF;
	_ =	strace $0x90000049  }
0xb2: {  	s29 =	simm.s32 $0x9;
	_ =	strace $0x8000004B  }
0xb3: {  	_ =	swait.ge [sflag:s29], $0x1  }
0xb4: {  	[sflag:s29] =	ssyncadd.s32 $0xFFFFFFFF  }
0xb5: {  	_ =	strace $0x9000004B  }
0xb6: {  	_ =	sfence  }
0xb7: {  	s30 =	sld [smem:$0x0];
	_ =	sdelay $0x2  }
0xb8: {  	s31 =	sshll.u32 s1, $0xD;
	s1 =	sshrl.u32 s1, $0x2  }
0xb9: {  	s3 =	sand.u32 $0x4000, s31;
	s1 =	sadd.s32 s1, s30  }
0xba: {  	s0 =	sor.u32 s3, s0;
	s1 =	sshll.u32 s1, $0x11  }
0xbb: {  	s0 =	sor.u32 s1, s0  }
0xbc: {  	s0 =	sadd.s32 $0x8F2B, s0  }
0xbd: {  	[sflag:s0] =	ssyncadd.remote.s32 $0x1  }
0xbe: {  	_ =	sfence.sel $0xFFFF  }
0xbf: {  	[dreg:$0x0] =	wrdreg $0xFFFFFFFF;
	(pc) =	sbr.abs _section_cstart, $3  }
0xc0: {  	[dreg:$0x1] =	wrdreg $0xFFFFFFFF  }
0xc1: {  	_ =	task.clear_ibuf [dreg:s6], $0x2FFFF;
	_ =	strace $0x9FFFFFFF  }
0xc2: {  	(tm) =	ssettm $0x7FFFFFFF  }
0xc3: {  	_ =	shalt  }
tec
execute0_lowered:
.L_overlay_start_1:
0x0: {  	(tag) =	ssettag $0x1  }
0x1: {  	s5 =	rddreg [dreg:$0x0]  }
0x2: {  	s1 =	rddreg [dreg:$0x1]  }
0x3: {  	s0 =	rddreg [dreg:$0x2];
	s2 =	simm.s32 $0x0;
	s3 =	srdreg.scid  }
0x4: {  	s15 =	simm.s32 $0x13880;
	s16 =	simm.s32 $0x13900;
	s17 =	simm.s32 $0x13980  }
0x5: {  	s18 =	simm.s32 $0x50;
	s19 =	simm.s32 $0x1;
	[smem:$0x7FF] =	sst s2  }
0x6: {  	s8 =	sand.u32 $0x1, s3;
	s3 =	sadd.s32 $0x16400, s5;
	s4 =	sadd.s32 $0x2800, s5  }
0x7: {  	s6 =	sadd.s32 $0xC600, s5;
	s7 =	sadd.s32 $0x64800, s5;
	s9 =	smul.u32 $0x27100, s8  }
0x8: {  	_ =	strace $0x8000004A;
	s10 =	ssub.s32 $0x2, s8;
	s12 =	sshll.u32 s8, $0x4  }
0x9: {  	s29 =	sshrl.u32 s10, $0x1;
	s11 =	sadd.s32 s9, s5;
	s5 =	stileid.u32  }
0xa: {  	s8 =	simm.s32 $0x8;
	s10 =	ssub.s32 s10, s29;
	s13 =	smul.u32 $0xA000, s5  }
0xb: {  	p0 =	slt.u32 s5, $0xD;
	s12 =	sor.u32 s5, s12;
	s14 =	smul.u32 $0x500, s5  }
0xc: {  	s10 =	smax.u32 s10, $0x1;
	s8 =	simm.s32 @!p0 $0x7;
	s9 =	smul.u32 $0x2710, s12  }
0xd: {  	s30 =	sshrl.u32 s13, $0x2;
	s31 =	sadd.s32 s14, s11;
	s13 =	simm.s32 $0x16180  }
0xe: {  	v0 =	vimm.f32 $0.0e+00;
	s14 =	simm.s32 $0x2;
	s11 =	sadd.s32 s30, s1;
	s12 =	sadd.s32 $0x546800, s31  }
.LBB2_1:
0xf: {  	s20 =	simm.s32 $0x0;
	s21 =	simm.s32 $0x200  }
.LBB2_2:
0x10: {  	p0 =	sne.s32 s21, $0x9E00;
	[tilespmem:s20+$0x161F0] =	vst v0  }
0x11: {  	[tilespmem:s20+$0x16180] =	vst v0  }
0x12: {  	[tilespmem:s20+$0x16190] =	vst v0  }
.Ltmp0:
0x13: {  	[tilespmem:s20+$0x161A0] =	vst v0;
	(pc) =	sbr.rel @p0 .LBB2_2-.Ltmp0, $4  }
0x14: {  	[tilespmem:s20+$0x161B0] =	vst v0  }
0x15: {  	[tilespmem:s20+$0x161C0] =	vst v0  }
0x16: {  	[tilespmem:s20+$0x161D0] =	vst v0  }
0x17: {  	[tilespmem:s20+$0x161E0] =	vst v0;
	s20 =	sshra.s32 s21, $0x2;
	s21 =	sadd.s32 $0x200, s21  }
0x18: {  	[tilespmem:s20+$0x161F0] =	vst v0  }
0x19: {  	[tilespmem:s20+$0x16180] =	vst v0  }
0x1a: {  	[tilespmem:s20+$0x16190] =	vst v0  }
0x1b: {  	[tilespmem:s20+$0x161A0] =	vst v0  }
0x1c: {  	[tilespmem:s20+$0x161B0] =	vst v0  }
0x1d: {  	[tilespmem:s20+$0x161C0] =	vst v0;
	p0 =	sne.s32 s8, $0x1  }
.Ltmp1:
0x1e: {  	[tilespmem:s20+$0x161D0] =	vst v0;
	(pc) =	sbr.rel @!p0 .LBB2_5-.Ltmp1, $4  }
0x1f: {  	[tilespmem:s20+$0x161E0] =	vst v0  }
0x20: {  	[spmem:s11] =	stream.linear.scatter [tilespmem:s13], [sflag:$0x2], $0x2800, $0x38;
	[tilespmem:$0x18980] =	vst v63  }
0x21: {  	_ =	swait.ge [sflag:s14], $0x2800  }
0x22: {  	s20 =	sadd.s32 $0xFFFFFFFF, s8;
	s21 =	smov.u32 s11;
	[sflag:s14] =	ssyncset.done $0x0  }
.LBB2_4:
0x23: {  	p1 =	sne.s32 s20, $0x1;
	[sflag:s14] =	ssyncadd.s32 $0xFFFFD800;
	s21 =	sadd.s32 $0x28000, s21  }
.Ltmp2:
0x24: {  	s20 =	sadd.s32 $0xFFFFFFFF, s20;
	(pc) =	sbr.rel @p1 .LBB2_4-.Ltmp2, $4  }
0x25: {  	_ = 	snop  }
0x26: {  	[spmem:s21] =	stream.linear.scatter [tilespmem:s13], [sflag:$0x2], $0x2800, $0x38;
	[tilespmem:$0x18980] =	vst v63  }
0x27: {  	_ =	swait.ge [sflag:s14], $0x2800  }
0x28: {  	[sflag:s14] =	ssyncset.done $0x0  }
.LBB2_5:
0x29: {  	[sflag:s14] =	ssyncadd.s32 $0xFFFFD800  }
0x2a: {  	s20 =	simm.s32 $0x0;
	s21 =	simm.s32 $0x0;
	[bflag:$0x0] =	sbarrier.arrive $0xFFFF  }
.LBB2_6:
0x2b: {  	s22 =	smul.u32 $0x50, s21;
	_ =	sdelay $0x1  }
0x2c: {  	s22 =	sadd.s32 s9, s22  }
0x2d: {  	s23 =	sshrl.u32 s22, $0x3  }
0x2e: {  	s24 =	sadd.s32 s4, s23  }
0x2f: {  	[tilespmem:s15], [sflag:$0x2] =	stream.linear.gather [hbm4b:s24+s20], $0x50, $0x38;
	[tilespmem:$0x18980] =	vst v63  }
0x30: {  	_ =	swait.ge [sflag:s14], $0x50  }
0x31: {  	[sflag:s14] =	ssyncset.done $0x0  }
0x32: {  	s23 =	sadd.s32 s6, s23;
	[sflag:s14] =	ssyncadd.s32 $0xFFFFFFB0  }
0x33: {  	[tilespmem:s16], [sflag:$0x2] =	stream.linear.gather [hbm4b:s23+s20], $0x50, $0x38;
	[tilespmem:$0x18980] =	vst v63  }
0x34: {  	_ =	swait.ge [sflag:s14], $0x50  }
0x35: {  	s22 =	sshll.u32 s22, $0x4;
	[sflag:s14] =	ssyncset.done $0x0  }
0x36: {  	s22 =	sadd.s32 s7, s22;
	[sflag:s14] =	ssyncadd.s32 $0xFFFFFFB0  }
0x37: {  	[tilespmem:s17], [sflag:$0x2] =	stream.linear.gather [hbm4b:s22+s20], $0x2800, $0x38;
	[tilespmem:$0x18980] =	vst v63  }
0x38: {  	_ =	swait.ge [sflag:s14], $0x2800  }
0x39: {  	[sflag:s14] =	ssyncset.done $0x0  }
0x3a: {  	[sflag:s14] =	ssyncadd.s32 $0xFFFFD800  }
0x3b: {  	[tilespmem:s13], [sflag:$0x1] =	stream.indirect.gather [hbm4b:s3+s18], $0x80, s15, s18, $0xb8;
	[tilespmem:$0x18980] =	vst v63  }
0x3c: {  	_ =	swait.ge [sflag:s19], $0x2800  }
0x3d: {  	[sflag:s19] =	ssyncset.done $0x0  }
0x3e: {  	s22 =	simm.s32 $0x0;
	[sflag:s19] =	ssyncadd.s32 $0xFFFFD800  }
0x3f: {  	v1 =	vld [tilespmem:s22+$0x13980]  }
0x40: {  	v5 =	vld [tilespmem:s22+$0x16180]  }
0x41: {  	v7 =	vld [tilespmem:s22+$0x16190]  }
0x42: {  	v6 =	vld [tilespmem:s22+$0x161A0]  }
0x43: {  	v4 =	vld [tilespmem:s22+$0x161B0]  }
0x44: {  	v2 =	vld [tilespmem:s22+$0x161C0]  }
0x45: {  	v3 =	vld [tilespmem:s22+$0x161D0];
	v8 =	vmul.f32 v5, v1  }
0x46: {  	s23 =	simm.s32 $0x200;
	v7 =	vmul.f32 v7, v1;
	v5 =	vld [tilespmem:s22+$0x161E0]  }
.LBB2_7:
0x47: {  	s24 =	sshra.s32 s23, $0x2;
	p1 =	sne.s32 s23, $0x9E00;
	[tilespmem:s22+$0x16180] =	vst v8;
	v6 =	vmul.f32 v6, v1;
	v8 =	vld [tilespmem:s22+$0x161F0]  }
0x48: {  	v9 =	vld [tilespmem:s24+$0x13980];
	[tilespmem:s22+$0x16190] =	vst v7;
	v4 =	vmul.f32 v4, v1  }
0x49: {  	v7 =	vld [tilespmem:s24+$0x16180];
	[tilespmem:s22+$0x161A0] =	vst v6;
	v2 =	vmul.f32 v2, v1  }
0x4a: {  	v10 =	vld [tilespmem:s24+$0x16190];
	[tilespmem:s22+$0x161B0] =	vst v4;
	v3 =	vmul.f32 v3, v1  }
.Ltmp3:
0x4b: {  	v6 =	vld [tilespmem:s24+$0x161A0];
	[tilespmem:s22+$0x161C0] =	vst v2;
	v5 =	vmul.f32 v5, v1;
	(pc) =	sbr.rel @p1 .LBB2_7-.Ltmp3, $4  }
0x4c: {  	v4 =	vld [tilespmem:s24+$0x161B0];
	[tilespmem:s22+$0x161D0] =	vst v3;
	v11 =	vmul.f32 v8, v1  }
0x4d: {  	v2 =	vld [tilespmem:s24+$0x161C0];
	[tilespmem:s22+$0x161E0] =	vst v5;
	v1 =	vmov v9  }
0x4e: {  	v8 =	vmul.f32 v7, v1;
	v3 =	vld [tilespmem:s24+$0x161D0];
	[tilespmem:s22+$0x161F0] =	vst v11;
	s22 =	smov.u32 s24  }
0x4f: {  	s23 =	sadd.s32 $0x200, s23;
	v7 =	vmul.f32 v10, v1;
	v5 =	vld [tilespmem:s22+$0x161E0]  }
0x50: {  	[tilespmem:s22+$0x16180] =	vst v8;
	v6 =	vmul.f32 v6, v1;
	v63 =	vld [tilespmem:s22+$0x161F0]  }
0x51: {  	[tilespmem:s22+$0x16190] =	vst v7;
	v4 =	vmul.f32 v4, v1  }
0x52: {  	[tilespmem:s22+$0x161A0] =	vst v6;
	v2 =	vmul.f32 v2, v1  }
0x53: {  	[tilespmem:s22+$0x161B0] =	vst v4;
	v3 =	vmul.f32 v3, v1  }
0x54: {  	[tilespmem:s22+$0x161C0] =	vst v2;
	v2 =	vmul.f32 v5, v1  }
0x55: {  	s21 =	sadd.s32 $0x1, s21;
	[tilespmem:s22+$0x161D0] =	vst v3;
	v1 =	vmul.f32 v63, v1  }
0x56: {  	p1 =	sne.s32 s21, $0x7D;
	[tilespmem:s22+$0x161E0] =	vst v2  }
.Ltmp4:
0x57: {  	[tilespmem:s22+$0x161F0] =	vst v1;
	(pc) =	sbr.rel @p1 .LBB2_6-.Ltmp4, $4  }
0x58: {  	[spmem:s1] =	stream.indirect.scatter.add.f32 [tilespmem:s13], [sflag:$0x2], $0x80, s16, s18, $0xb8;
	[tilespmem:$0x18980] =	vst v63  }
0x59: {  	_ =	swait.ge [sflag:s14], $0x2800  }
0x5a: {  	[sflag:s14] =	ssyncset.done $0x0  }
0x5b: {  	[sflag:s14] =	ssyncadd.s32 $0xFFFFD800  }
.Ltmp5:
0x5c: {  	(pc) =	sbr.rel @!p0 .LBB2_11-.Ltmp5, $4  }
0x5d: {  	s20 =	sshll.u32 s5, $0x6;
	[bflag:$0x0] =	sbarrier.arrive $0xFFFF  }
0x5e: {  	s21 =	sshrl.u32 s11, $0x3;
	s22 =	sadd.s32 $0x5000, s12;
	s20 =	sor.u32 $0x1C02, s20  }
0x5f: {  	[hbm:s12], [sflag:s20] =	dma.local [spmem:s21], $0x500  }
0x60: {  	s23 =	smov.u32 s11;
	s21 =	sadd.s32 $0xFFFFFFFF, s8;
	_ =	swait.ge [sflag:s14], $0x500  }
.LBB2_10:
0x61: {  	[sflag:s14] =	ssyncset.done $0x0;
	s23 =	sadd.s32 $0x28000, s23;
	p0 =	sne.s32 s21, $0x1  }
.Ltmp6:
0x62: {  	s24 =	sshrl.u32 s23, $0x3;
	[sflag:s14] =	ssyncadd.s32 $0xFFFFFB00;
	(pc) =	sbr.rel @p0 .LBB2_10-.Ltmp6, $3  }
0x63: {  	[hbm:s22], [sflag:s20] =	dma.local [spmem:s24], $0x500  }
0x64: {  	s21 =	sadd.s32 $0xFFFFFFFF, s21;
	_ =	sdelay $0x1  }
0x65: {  	s22 =	sadd.s32 $0x5000, s22;
	_ =	swait.ge [sflag:s14], $0x500  }
.LBB2_11:
0x66: {  	s2 =	sadd.s32 $0x1, s2  }
0x67: {  	p0 =	sne.s32 s2, s10  }
.Ltmp7:
0x68: {  	_ = 	snop;
	(pc) =	sbr.rel @p0 .LBB2_1-.Ltmp7, $3  }
0x69: {  	_ =	sdelay $0x1  }
0x6a: {  	[sflag:s14] =	ssyncset.done $0x0  }
0x6b: {  	[sflag:s14] =	ssyncadd.s32 $0xFFFFFB00  }
0x6c: {  	_ =	sfence.sel $0x180000  }
0x6d: {  	[bflag:$0x0] =	sbarrier.arrive $0xFFFF  }
0x6e: {  	p0 =	sne.s32 s5, $0x0;
	_ =	strace $0x9000004A  }
0x6f: {  	s0 =	sadd.s32 @!p0 $0x100000, s0;
	[bflag:$0x2] =	sbarrier.arrive $0xFFFF  }
0x70: {  	[sflag:s0] =	ssyncadd.tile.s32 @!p0 $0x1;
	_ =	shalt  }
.Lfunc_end2:
_tile_overlayer_lowered:
.L_overlay_start_2:
0x71: {  	(tag) =	ssettag $0x2  }
0x72: {  	s0 =	rddreg [dreg:$0x0];
	s2 =	stileid.u32  }
0x73: {  	s1 =	rddreg [dreg:$0x1];
	p0 =	sne.s32 s2, $0x0  }
0x74: {  	s3 =	rddreg [dreg:$0x2];
	[bflag:$0x3] =	sbarrier.arrive $0xFFFF;
	s2 =	simm.s32 @!p0 $0x1C02  }
0x75: {  	[timem:s3], [sflag:s2] =	dma.local @!p0 [hbm:s0], s1  }
0x76: {  	s0 =	simm.s32 @!p0 $0x2  }
0x77: {  	_ =	swait.ge @!p0 [sflag:s0], s1  }
0x78: {  	s1 =	ssub.s32 @!p0 $0x0, s1;
	[sflag:s0] =	ssyncset.done @!p0 $0x0  }
0x79: {  	[sflag:s0] =	ssyncadd.s32 @!p0 s1  }
0x7a: {  	[bflag:$0x3] =	sbarrier.arrive $0xFFFF  }
0x7b: {  	_ =	shalt  }

// kernel: kernel.16.cloned.1.call-start
scs
__scs_entry_jumppad:
0x0: {  	(pc) =	sbr.rel $0x88, $3  }
0x1: {  	(tag) =	ssettag $0x0;
	lr =	simm.s32 $0x1  }
0x2: {  	[smem:$0x3F98] =	sst lr;
	_ =	strace $0xD0000000  }
0x3: {  	_ = 	snop  }
0x4: {  	_ = 	snop  }
0x5: {  	_ = 	snop  }
0x6: {  	_ = 	snop  }
0x7: {  	_ = 	snop  }
__scs_overlays_trampoline_lowered:
0x8: {  	[smem:$0x3FA7] =	sst s0  }
0x9: {  	[smem:$0x3FA8] =	sst s1  }
0xa: {  	[smem:$0x3FA9] =	sst s2  }
0xb: {  	[smem:$0x3FAA] =	sst s3  }
0xc: {  	[smem:$0x3FAB] =	sst s4  }
0xd: {  	[smem:$0x3FAC] =	sst s5  }
0xe: {  	[smem:$0x3FAD] =	sst s6  }
0xf: {  	[smem:$0x3FAE] =	sst s7  }
0x10: {  	[smem:$0x3FAF] =	sst s8  }
0x11: {  	[smem:$0x3FB0] =	sst s9;
	s0 =	simm.s32 @!p0 $0x0  }
0x12: {  	s1 =	sld [smem:$0x3F96];
	s0 =	simm.s32 @p0 $0x1  }
0x13: {  	[smem:$0x3FB1] =	sst s0;
	s0 =	simm.s32 @!p1 $0x0  }
0x14: {  	s2 =	sld [smem:$0x3F95];
	s0 =	simm.s32 @p1 $0x1  }
0x15: {  	[smem:$0x3FB2] =	sst s0;
	s0 =	simm.s32 @!p2 $0x0  }
0x16: {  	s3 =	sld [smem:$0x3FDB];
	s0 =	simm.s32 @p2 $0x1  }
0x17: {  	s4 =	simm.s32 $0x1BF5;
	[smem:$0x3FB4] =	sst s0  }
0x18: {  	s0 =	sld [smem:$0x3F97];
	_ =	swait.ge [sflag:s4], $0x0  }
0x19: {  	s7 =	sld [smem:$0x3F98]  }
0x1a: {  	s8 =	sadd.s32 $0xFFFFE003, lr  }
0x1b: {  	s9 =	sadd.s32 $0xFFFFFEF7, lr;
	s5 =	simm.s32 $0xFFFFFFFF;
	p2 =	slt.u32 s8, $0xFFFFF086  }
0x1c: {  	p1 =	slt.u32 s9, $0xF7A;
	s5 =	simm.s32 @!p2 $0x0  }
0x1d: {  	s5 =	simm.s32 @p1 $0x1;
	p0 =	seq.s32 s7, s2  }
0x1e: {  	s7 =	smul.u32 @!p0 $0xF7A, s2;
	p2 =	seq.s32 @!p0 s5, $0x0  }
0x1f: {  	s9 =	smul.u32 $0xF7A, s1;
	s8 =	simm.s32 @!p0 $0x1BF5;
	p2 =	por !p2, p0  }
0x20: {  	[sflag:s8] =	ssyncset.s32 @!p0 $0xFFFFF086;
	s6 =	sadd.s32 @!p0 s3, s7;
	s7 =	simm.s32 @!p0 $0x108  }
0x21: {  	s3 =	sadd.s32 s3, s9;
	s6 =	sadd.s32 @!p0 $0x88, s6;
	s7 =	simm.s32 @p2 $0x1082  }
0x22: {  	[simem:s7], [sflag:s8] =	dma.local @!p0 [hbm:s6], $0xF7A  }
0x23: {  	s9 =	sor.u32 $0xD0000000, s2;
	s6 =	simm.s32 $0x108;
	_ =	swait.ge @!p0 [sflag:s8], $0x0  }
0x24: {  	s3 =	sadd.s32 $0x88, s3;
	s6 =	simm.s32 @!p1 $0x1082;
	[sflag:s4] =	ssyncset.s32 $0xFFFFF086  }
0x25: {  	[simem:s6], [sflag:s4] =	dma.local [hbm:s3], $0xF7A  }
0x26: {  	[smem:$0x3F98] =	sst s1;
	(tag) =	ssettag s2;
	_ =	strace s9  }
0x27: {  	s1 =	sld [smem:$0x3FA8]  }
0x28: {  	s2 =	sld [smem:$0x3FA9]  }
0x29: {  	s4 =	sld [smem:$0x3FAB]  }
0x2a: {  	p0 =	seq.s32 s5, $0x0;
	s5 =	sld [smem:$0x3FAC]  }
0x2b: {  	s6 =	sld [smem:$0x3FAD]  }
0x2c: {  	s7 =	sld [smem:$0x3FAE]  }
0x2d: {  	s3 =	simm.s32 $0x108;
	s8 =	sld [smem:$0x3FAF]  }
0x2e: {  	s3 =	simm.s32 @!p0 $0x1082;
	s9 =	sld [smem:$0x3FB0]  }
0x2f: {  	lr =	sadd.s32 s0, s3;
	s0 =	sld [smem:$0x3FA7]  }
0x30: {  	s3 =	sld [smem:$0x3FAA]  }
0x31: {  	[smem:$0x3FB3] =	sst s10  }
0x32: {  	s10 =	sld [smem:$0x3FB1];
	_ =	sdelay $0x3  }
0x33: {  	p0 =	seq.s32 s10, $0x1;
	s10 =	sld [smem:$0x3FB3];
	_ =	sdelay $0x3  }
0x34: {  	[smem:$0x3FB3] =	sst s10  }
0x35: {  	s10 =	sld [smem:$0x3FB2];
	_ =	sdelay $0x3  }
0x36: {  	p1 =	seq.s32 s10, $0x1;
	s10 =	sld [smem:$0x3FB3];
	_ =	sdelay $0x3  }
0x37: {  	[smem:$0x3FB3] =	sst s10  }
0x38: {  	s10 =	sld [smem:$0x3FB4]  }
0x39: {  	_ = 	snop;
	(pc) =	sbr.ind lr, $3  }
0x3a: {  	_ = 	snop  }
0x3b: {  	_ = 	snop  }
0x3c: {  	p2 =	seq.s32 s10, $0x1;
	s10 =	sld [smem:$0x3FB3]  }
0x3d: {  	_ =	shalt  }
0x3e: {  	_ =	shalt  }
0x3f: {  	_ =	shalt  }
0x40: {  	_ =	shalt  }
0x41: {  	_ =	shalt  }
0x42: {  	_ =	shalt  }
0x43: {  	_ =	shalt  }
0x44: {  	_ =	shalt  }
0x45: {  	_ =	shalt  }
0x46: {  	_ =	shalt  }
0x47: {  	_ =	shalt  }
0x48: {  	_ =	shalt  }
0x49: {  	_ =	shalt  }
0x4a: {  	_ =	shalt  }
0x4b: {  	_ =	shalt  }
0x4c: {  	_ =	shalt  }
0x4d: {  	_ =	shalt  }
0x4e: {  	_ =	shalt  }
0x4f: {  	_ =	shalt  }
0x50: {  	_ =	shalt  }
0x51: {  	_ =	shalt  }
0x52: {  	_ =	shalt  }
0x53: {  	_ =	shalt  }
0x54: {  	_ =	shalt  }
0x55: {  	_ =	shalt  }
0x56: {  	_ =	shalt  }
0x57: {  	_ =	shalt  }
0x58: {  	_ =	shalt  }
0x59: {  	_ =	shalt  }
0x5a: {  	_ =	shalt  }
0x5b: {  	_ =	shalt  }
0x5c: {  	_ =	shalt  }
0x5d: {  	_ =	shalt  }
0x5e: {  	_ =	shalt  }
0x5f: {  	_ =	shalt  }
0x60: {  	_ =	shalt  }
0x61: {  	_ =	shalt  }
0x62: {  	_ =	shalt  }
0x63: {  	_ =	shalt  }
0x64: {  	_ =	shalt  }
0x65: {  	_ =	shalt  }
0x66: {  	_ =	shalt  }
0x67: {  	_ =	shalt  }
0x68: {  	_ =	shalt  }
0x69: {  	_ =	shalt  }
0x6a: {  	_ =	shalt  }
0x6b: {  	_ =	shalt  }
0x6c: {  	_ =	shalt  }
0x6d: {  	_ =	shalt  }
0x6e: {  	_ =	shalt  }
0x6f: {  	_ =	shalt  }
0x70: {  	_ =	shalt  }
0x71: {  	_ =	shalt  }
0x72: {  	_ =	shalt  }
0x73: {  	_ =	shalt  }
0x74: {  	_ =	shalt  }
0x75: {  	_ =	shalt  }
0x76: {  	_ =	shalt  }
0x77: {  	_ =	shalt  }
0x78: {  	_ =	shalt  }
0x79: {  	_ =	shalt  }
0x7a: {  	_ =	shalt  }
0x7b: {  	_ =	shalt  }
0x7c: {  	_ =	shalt  }
0x7d: {  	_ =	shalt  }
0x7e: {  	_ =	shalt  }
0x7f: {  	_ =	shalt  }
0x80: {  	_ =	shalt  }
0x81: {  	_ =	shalt  }
0x82: {  	_ =	shalt  }
0x83: {  	_ =	shalt  }
0x84: {  	_ =	shalt  }
0x85: {  	_ =	shalt  }
0x86: {  	_ =	shalt  }
0x87: {  	_ =	shalt  }
.Lfunc_end0:
.L_simem_size_0:
called_computation.2_lowered:
.L_overlay_start_0:
0x88: {  	s2 =	sld [smem:$0x3FD9]  }
0x89: {  	s3 =	sld [smem:$0x3FFE];
	_ =	sdelay $0x1  }
0x8a: {  	s1 =	srdreg.scid  }
0x8b: {  	s0 =	sand.u32 $0x1, s1  }
0x8c: {  	s16 =	sshll.u32 s0, $0xA;
	s2 =	sadd.s32 s3, s2  }
0x8d: {  	s2 =	sadd.s32 s2, s16  }
0x8e: {  	[smem:$0x3FBF] =	sst s2  }
0x8f: {  	_ = 	snop  }
0x90: {  	(tm) =	ssettm $0x1  }
0x91: {  	s17 =	sld [smem:$0x3FFB];
	_ =	sdelay $0x3  }
0x92: {  	_ =	strace s17  }
0x93: {  	s2 =	sld [smem:$0x3FFC];
	_ =	sdelay $0x3  }
0x94: {  	_ =	strace s2  }
0x95: {  	s2 =	sld [smem:$0x3FFD];
	_ =	sdelay $0x3  }
0x96: {  	_ =	strace s2  }
0x97: {  	_ =	strace $0x8FFFFFFF  }
0x98: {  	s18 =	sld [smem:$0x3FDB];
	_ =	sdelay $0x1  }
0x99: {  	s19 =	simm.s32 $_scs_section_size  }
0x9a: {  	s4 =	simm.s32 $_size__tile_overlayer_lowered;
	s5 =	simm.s32 $_tile_overlayer_lowered  }
0x9b: {  	s22 =	simm.s32 $0x1BFF;
	s21 =	sshll.u32 s5, $0x1;
	s2 =	sadd.s32 s19, s18  }
0x9c: {  	s6 =	simm.s32 $0x0;
	s20 =	sshll.u32 s4, $0x1;
	s4 =	sadd.s32 s21, s2  }
0x9d: {  	[timem:s6], [sflag:s22] =	dma.local [hbm:s4], s20  }
0x9e: {  	_ =	swait.ge [sflag:s22], s20  }
0x9f: {  	s3 =	ssub.s32 $0x0, s20;
	[sflag:s22] =	ssyncset.done $0x0  }
0xa0: {  	[sflag:s22] =	ssyncadd.s32 s3;
	_ =	sdelay $0x1  }
0xa1: {  	s23 =	simm.s32 $0x1B8B  }
0xa2: {  	_ =	swait.ge [sflag:s23], $0x1  }
0xa3: {  	[sflag:s23] =	ssyncset.done $0x0  }
0xa4: {  	s25 =	simm.s32 $0x1B8E;
	s24 =	sld [smem:$0x3FFE];
	[sflag:s23] =	ssyncadd.s32 $0xFFFFFFFF  }
0xa5: {  	s26 =	simm.s32 $execute0_lowered;
	[smem:$0x3FD2] =	sst s25  }
0xa6: {  	s4 =	sshll.u32 s26, $0x1;
	_ =	strace $0x8000004C;
	[dreg:$0x1] =	wrdreg $0xFFFFFFFF  }
0xa7: {  	s28 =	simm.s32 $_size_execute0_lowered;
	s2 =	sadd.s32 s2, s4;
	[dreg:$0x0] =	wrdreg $0x0  }
0xa8: {  	s4 =	sshll.u32 s28, $0x1;
	[dreg:$0x2] =	wrdreg s2  }
0xa9: {  	[dreg:$0x3] =	wrdreg s4  }
0xaa: {  	[dreg:$0x4] =	wrdreg $0xC0  }
0xab: {  	_ =	task [dreg:s6], $0x5FFFF  }
0xac: {  	[dreg:$0x1] =	wrdreg $0xFFFFFFFF  }
0xad: {  	[dreg:$0x0] =	wrdreg $0x60  }
0xae: {  	[dreg:$0x2] =	wrdreg s24  }
0xaf: {  	[dreg:$0x3] =	wrdreg $0x0  }
0xb0: {  	[dreg:$0x4] =	wrdreg $0x9  }
0xb1: {  	_ =	task.clear_ibuf [dreg:s6], $0x5FFFF;
	_ =	strace $0x9000004C  }
0xb2: {  	s29 =	simm.s32 $0x9;
	_ =	strace $0x8000004E  }
0xb3: {  	_ =	swait.ge [sflag:s29], $0x1  }
0xb4: {  	[sflag:s29] =	ssyncadd.s32 $0xFFFFFFFF  }
0xb5: {  	_ =	strace $0x9000004E  }
0xb6: {  	_ =	sfence  }
0xb7: {  	s30 =	sld [smem:$0x0];
	_ =	sdelay $0x2  }
0xb8: {  	s31 =	sshll.u32 s1, $0xD;
	s1 =	sshrl.u32 s1, $0x2  }
0xb9: {  	s3 =	sand.u32 $0x4000, s31;
	s1 =	sadd.s32 s1, s30  }
0xba: {  	s0 =	sor.u32 s3, s0;
	s1 =	sshll.u32 s1, $0x11  }
0xbb: {  	s0 =	sor.u32 s1, s0  }
0xbc: {  	s0 =	sadd.s32 $0x8F2B, s0  }
0xbd: {  	[sflag:s0] =	ssyncadd.remote.s32 $0x1  }
0xbe: {  	_ =	sfence.sel $0xFFFF  }
0xbf: {  	[dreg:$0x0] =	wrdreg $0xFFFFFFFF;
	(pc) =	sbr.abs _section_cstart, $3  }
0xc0: {  	[dreg:$0x1] =	wrdreg $0xFFFFFFFF  }
0xc1: {  	_ =	task.clear_ibuf [dreg:s6], $0x2FFFF;
	_ =	strace $0x9FFFFFFF  }
0xc2: {  	(tm) =	ssettm $0x7FFFFFFF  }
0xc3: {  	_ =	shalt  }
tec
execute0_lowered:
.L_overlay_start_1:
0x0: {  	(tag) =	ssettag $0x1  }
0x1: {  	s8 =	rddreg [dreg:$0x0]  }
0x2: {  	s1 =	rddreg [dreg:$0x1]  }
0x3: {  	s0 =	rddreg [dreg:$0x2];
	s2 =	simm.s32 $0x0  }
0x4: {  	s5 =	srdreg.scid;
	s15 =	simm.s32 $0x13880;
	s16 =	simm.s32 $0x13900  }
0x5: {  	s18 =	simm.s32 $0x50;
	s19 =	simm.s32 $0x1;
	s9 =	sand.u32 $0x1, s5  }
0x6: {  	[smem:$0x7FF] =	sst s2;
	s3 =	sadd.s32 $0x546800, s8;
	s10 =	smul.u32 $0x27100, s9  }
0x7: {  	s4 =	sadd.s32 $0x2800, s8;
	s5 =	stileid.u32;
	s17 =	smul.u32 $0x2710, s9  }
0x8: {  	s6 =	sadd.s32 $0xC600, s8;
	s7 =	sadd.s32 $0x64800, s8;
	s13 =	smul.u32 $0xA000, s5  }
0x9: {  	_ =	strace $0x8000004D;
	s11 =	ssub.s32 $0x2, s9;
	s14 =	smul.u32 $0x500, s5  }
0xa: {  	p0 =	slt.u32 s5, $0xD;
	s9 =	smul.u32 $0x4E20, s5;
	s29 =	sshrl.u32 s11, $0x1  }
0xb: {  	s12 =	sadd.s32 s10, s8;
	s8 =	simm.s32 $0x8;
	s30 =	ssub.s32 s11, s29  }
0xc: {  	s31 =	sshrl.u32 s13, $0x2;
	s13 =	simm.s32 $0x16180;
	v0 =	vmov s17;
	s17 =	simm.s32 $0x13980  }
0xd: {  	s8 =	simm.s32 @!p0 $0x7;
	s10 =	smax.u32 s30, $0x1;
	s12 =	sadd.s32 s14, s12  }
0xe: {  	v1 =	vimm.f32 $0.0e+00;
	s11 =	sadd.s32 s31, s1;
	s14 =	simm.s32 $0x2;
	s12 =	sadd.s32 $0x594A00, s12  }
.LBB2_1:
0xf: {  	s20 =	simm.s32 $0x0;
	s21 =	simm.s32 $0x200  }
.LBB2_2:
0x10: {  	p0 =	sne.s32 s21, $0x9E00;
	[tilespmem:s20+$0x161F0] =	vst v1  }
0x11: {  	[tilespmem:s20+$0x16180] =	vst v1  }
0x12: {  	[tilespmem:s20+$0x16190] =	vst v1  }
.Ltmp0:
0x13: {  	[tilespmem:s20+$0x161A0] =	vst v1;
	(pc) =	sbr.rel @p0 .LBB2_2-.Ltmp0, $4  }
0x14: {  	[tilespmem:s20+$0x161B0] =	vst v1  }
0x15: {  	[tilespmem:s20+$0x161C0] =	vst v1  }
0x16: {  	[tilespmem:s20+$0x161D0] =	vst v1  }
0x17: {  	[tilespmem:s20+$0x161E0] =	vst v1;
	s20 =	sshra.s32 s21, $0x2;
	s21 =	sadd.s32 $0x200, s21  }
0x18: {  	[tilespmem:s20+$0x161F0] =	vst v1  }
0x19: {  	[tilespmem:s20+$0x16180] =	vst v1  }
0x1a: {  	[tilespmem:s20+$0x16190] =	vst v1  }
0x1b: {  	[tilespmem:s20+$0x161A0] =	vst v1  }
0x1c: {  	[tilespmem:s20+$0x161B0] =	vst v1  }
0x1d: {  	[tilespmem:s20+$0x161C0] =	vst v1;
	p0 =	sne.s32 s8, $0x1  }
.Ltmp1:
0x1e: {  	[tilespmem:s20+$0x161D0] =	vst v1;
	(pc) =	sbr.rel @!p0 .LBB2_5-.Ltmp1, $4  }
0x1f: {  	[tilespmem:s20+$0x161E0] =	vst v1  }
0x20: {  	[spmem:s11] =	stream.linear.scatter [tilespmem:s13], [sflag:$0x2], $0x2800, $0x38;
	[tilespmem:$0x18980] =	vst v63  }
0x21: {  	_ =	swait.ge [sflag:s14], $0x2800  }
0x22: {  	s20 =	sadd.s32 $0xFFFFFFFF, s8;
	s21 =	smov.u32 s11;
	[sflag:s14] =	ssyncset.done $0x0  }
.LBB2_4:
0x23: {  	p1 =	sne.s32 s20, $0x1;
	[sflag:s14] =	ssyncadd.s32 $0xFFFFD800;
	s21 =	sadd.s32 $0x28000, s21  }
.Ltmp2:
0x24: {  	s20 =	sadd.s32 $0xFFFFFFFF, s20;
	(pc) =	sbr.rel @p1 .LBB2_4-.Ltmp2, $4  }
0x25: {  	_ = 	snop  }
0x26: {  	[spmem:s21] =	stream.linear.scatter [tilespmem:s13], [sflag:$0x2], $0x2800, $0x38;
	[tilespmem:$0x18980] =	vst v63  }
0x27: {  	_ =	swait.ge [sflag:s14], $0x2800  }
0x28: {  	[sflag:s14] =	ssyncset.done $0x0  }
.LBB2_5:
0x29: {  	[sflag:s14] =	ssyncadd.s32 $0xFFFFD800  }
0x2a: {  	s20 =	simm.s32 $0x0;
	s21 =	simm.s32 $0x0;
	[bflag:$0x0] =	sbarrier.arrive $0xFFFF  }
.LBB2_6:
0x2b: {  	s22 =	smul.u32 $0x50, s21;
	_ =	sdelay $0x1  }
0x2c: {  	s22 =	sadd.s32 s9, s22  }
0x2d: {  	s23 =	sshrl.u32 s22, $0x3  }
0x2e: {  	s24 =	sadd.s32 s4, s23  }
0x2f: {  	[tilespmem:s15], [sflag:$0x2] =	stream.linear.gather [hbm4b:s24+s20], $0x50, $0x38;
	[tilespmem:$0x18980] =	vst v63  }
0x30: {  	_ =	swait.ge [sflag:s14], $0x50  }
0x31: {  	[sflag:s14] =	ssyncset.done $0x0  }
0x32: {  	s23 =	sadd.s32 s6, s23;
	[sflag:s14] =	ssyncadd.s32 $0xFFFFFFB0  }
0x33: {  	[tilespmem:s16], [sflag:$0x2] =	stream.linear.gather [hbm4b:s23+s20], $0x50, $0x38;
	[tilespmem:$0x18980] =	vst v63  }
0x34: {  	_ =	swait.ge [sflag:s14], $0x50  }
0x35: {  	s22 =	sshll.u32 s22, $0x4;
	[sflag:s14] =	ssyncset.done $0x0  }
0x36: {  	s22 =	sadd.s32 s7, s22;
	[sflag:s14] =	ssyncadd.s32 $0xFFFFFFB0  }
0x37: {  	[tilespmem:s17], [sflag:$0x2] =	stream.linear.gather [hbm4b:s22+s20], $0x2800, $0x38;
	[tilespmem:$0x18980] =	vst v63  }
0x38: {  	_ =	swait.ge [sflag:s14], $0x2800  }
0x39: {  	[sflag:s14] =	ssyncset.done $0x0  }
0x3a: {  	[sflag:s14] =	ssyncadd.s32 $0xFFFFD800  }
0x3b: {  	v2 =	vld [tilespmem:$0x13880]  }
0x3c: {  	v3 =	vld [tilespmem:$0x13890]  }
0x3d: {  	v4 =	vld [tilespmem:$0x138A0]  }
0x3e: {  	v5 =	vld [tilespmem:$0x138B0]  }
0x3f: {  	v6 =	vld [tilespmem:$0x138C0]  }
0x40: {  	v2 =	vadd.s32 v0, v2  }
0x41: {  	[tilespmem:$0x13880] =	vst v2;
	v2 =	vadd.s32 v0, v3  }
0x42: {  	[tilespmem:$0x13890] =	vst v2;
	v2 =	vadd.s32 v0, v4  }
0x43: {  	[tilespmem:$0x138A0] =	vst v2;
	v2 =	vadd.s32 v0, v5  }
0x44: {  	[tilespmem:$0x138B0] =	vst v2;
	v2 =	vadd.s32 v0, v6  }
0x45: {  	[tilespmem:$0x138C0] =	vst v2  }
0x46: {  	[tilespmem:s13], [sflag:$0x1] =	stream.indirect.gather [hbm4b:s3+s18], $0x80, s15, s18, $0xb8;
	[tilespmem:$0x18980] =	vst v63  }
0x47: {  	_ =	swait.ge [sflag:s19], $0x2800  }
0x48: {  	[sflag:s19] =	ssyncset.done $0x0  }
0x49: {  	s22 =	simm.s32 $0x0;
	[sflag:s19] =	ssyncadd.s32 $0xFFFFD800  }
0x4a: {  	v2 =	vld [tilespmem:s22+$0x13980]  }
0x4b: {  	v6 =	vld [tilespmem:s22+$0x16180]  }
0x4c: {  	v8 =	vld [tilespmem:s22+$0x16190]  }
0x4d: {  	v7 =	vld [tilespmem:s22+$0x161A0]  }
0x4e: {  	v5 =	vld [tilespmem:s22+$0x161B0]  }
0x4f: {  	v3 =	vld [tilespmem:s22+$0x161C0]  }
0x50: {  	v4 =	vld [tilespmem:s22+$0x161D0];
	v9 =	vmul.f32 v6, v2  }
0x51: {  	s23 =	simm.s32 $0x200;
	v8 =	vmul.f32 v8, v2;
	v6 =	vld [tilespmem:s22+$0x161E0]  }
.LBB2_7:
0x52: {  	s24 =	sshra.s32 s23, $0x2;
	p1 =	sne.s32 s23, $0x9E00;
	[tilespmem:s22+$0x16180] =	vst v9;
	v7 =	vmul.f32 v7, v2;
	v9 =	vld [tilespmem:s22+$0x161F0]  }
0x53: {  	v10 =	vld [tilespmem:s24+$0x13980];
	[tilespmem:s22+$0x16190] =	vst v8;
	v5 =	vmul.f32 v5, v2  }
0x54: {  	v8 =	vld [tilespmem:s24+$0x16180];
	[tilespmem:s22+$0x161A0] =	vst v7;
	v3 =	vmul.f32 v3, v2  }
0x55: {  	v11 =	vld [tilespmem:s24+$0x16190];
	[tilespmem:s22+$0x161B0] =	vst v5;
	v4 =	vmul.f32 v4, v2  }
.Ltmp3:
0x56: {  	v7 =	vld [tilespmem:s24+$0x161A0];
	[tilespmem:s22+$0x161C0] =	vst v3;
	v6 =	vmul.f32 v6, v2;
	(pc) =	sbr.rel @p1 .LBB2_7-.Ltmp3, $4  }
0x57: {  	v5 =	vld [tilespmem:s24+$0x161B0];
	[tilespmem:s22+$0x161D0] =	vst v4;
	v12 =	vmul.f32 v9, v2  }
0x58: {  	v3 =	vld [tilespmem:s24+$0x161C0];
	[tilespmem:s22+$0x161E0] =	vst v6;
	v2 =	vmov v10  }
0x59: {  	v9 =	vmul.f32 v8, v2;
	v4 =	vld [tilespmem:s24+$0x161D0];
	[tilespmem:s22+$0x161F0] =	vst v12;
	s22 =	smov.u32 s24  }
0x5a: {  	s23 =	sadd.s32 $0x200, s23;
	v8 =	vmul.f32 v11, v2;
	v6 =	vld [tilespmem:s22+$0x161E0]  }
0x5b: {  	[tilespmem:s22+$0x16180] =	vst v9;
	v7 =	vmul.f32 v7, v2;
	v63 =	vld [tilespmem:s22+$0x161F0]  }
0x5c: {  	[tilespmem:s22+$0x16190] =	vst v8;
	v5 =	vmul.f32 v5, v2  }
0x5d: {  	[tilespmem:s22+$0x161A0] =	vst v7;
	v3 =	vmul.f32 v3, v2  }
0x5e: {  	[tilespmem:s22+$0x161B0] =	vst v5;
	v4 =	vmul.f32 v4, v2  }
0x5f: {  	[tilespmem:s22+$0x161C0] =	vst v3;
	v3 =	vmul.f32 v6, v2  }
0x60: {  	s21 =	sadd.s32 $0x1, s21;
	[tilespmem:s22+$0x161D0] =	vst v4;
	v2 =	vmul.f32 v63, v2  }
0x61: {  	p1 =	sne.s32 s21, $0xFA;
	[tilespmem:s22+$0x161E0] =	vst v3  }
.Ltmp4:
0x62: {  	[tilespmem:s22+$0x161F0] =	vst v2;
	(pc) =	sbr.rel @p1 .LBB2_6-.Ltmp4, $4  }
0x63: {  	[spmem:s1] =	stream.indirect.scatter.add.f32 [tilespmem:s13], [sflag:$0x2], $0x80, s16, s18, $0xb8;
	[tilespmem:$0x18980] =	vst v63  }
0x64: {  	_ =	swait.ge [sflag:s14], $0x2800  }
0x65: {  	[sflag:s14] =	ssyncset.done $0x0  }
0x66: {  	[sflag:s14] =	ssyncadd.s32 $0xFFFFD800  }
.Ltmp5:
0x67: {  	(pc) =	sbr.rel @!p0 .LBB2_11-.Ltmp5, $4  }
0x68: {  	s20 =	sshll.u32 s5, $0x6;
	[bflag:$0x0] =	sbarrier.arrive $0xFFFF  }
0x69: {  	s21 =	sshrl.u32 s11, $0x3;
	s22 =	sadd.s32 $0x5000, s12;
	s20 =	sor.u32 $0x1C02, s20  }
0x6a: {  	[hbm:s12], [sflag:s20] =	dma.local [spmem:s21], $0x500  }
0x6b: {  	s23 =	smov.u32 s11;
	s21 =	sadd.s32 $0xFFFFFFFF, s8;
	_ =	swait.ge [sflag:s14], $0x500  }
.LBB2_10:
0x6c: {  	[sflag:s14] =	ssyncset.done $0x0;
	s23 =	sadd.s32 $0x28000, s23;
	p0 =	sne.s32 s21, $0x1  }
.Ltmp6:
0x6d: {  	s24 =	sshrl.u32 s23, $0x3;
	[sflag:s14] =	ssyncadd.s32 $0xFFFFFB00;
	(pc) =	sbr.rel @p0 .LBB2_10-.Ltmp6, $3  }
0x6e: {  	[hbm:s22], [sflag:s20] =	dma.local [spmem:s24], $0x500  }
0x6f: {  	s21 =	sadd.s32 $0xFFFFFFFF, s21;
	_ =	sdelay $0x1  }
0x70: {  	s22 =	sadd.s32 $0x5000, s22;
	_ =	swait.ge [sflag:s14], $0x500  }
.LBB2_11:
0x71: {  	s2 =	sadd.s32 $0x1, s2  }
0x72: {  	p0 =	sne.s32 s2, s10  }
.Ltmp7:
0x73: {  	_ = 	snop;
	(pc) =	sbr.rel @p0 .LBB2_1-.Ltmp7, $3  }
0x74: {  	_ =	sdelay $0x1  }
0x75: {  	[sflag:s14] =	ssyncset.done $0x0  }
0x76: {  	[sflag:s14] =	ssyncadd.s32 $0xFFFFFB00  }
0x77: {  	_ =	sfence.sel $0x180000  }
0x78: {  	[bflag:$0x0] =	sbarrier.arrive $0xFFFF  }
0x79: {  	p0 =	sne.s32 s5, $0x0;
	_ =	strace $0x9000004D  }
0x7a: {  	s0 =	sadd.s32 @!p0 $0x100000, s0;
	[bflag:$0x2] =	sbarrier.arrive $0xFFFF  }
0x7b: {  	[sflag:s0] =	ssyncadd.tile.s32 @!p0 $0x1;
	_ =	shalt  }
.Lfunc_end2:
_tile_overlayer_lowered:
.L_overlay_start_2:
0x7c: {  	(tag) =	ssettag $0x2  }
0x7d: {  	s0 =	rddreg [dreg:$0x0];
	s2 =	stileid.u32  }
0x7e: {  	s1 =	rddreg [dreg:$0x1];
	p0 =	sne.s32 s2, $0x0  }
0x7f: {  	s3 =	rddreg [dreg:$0x2];
	[bflag:$0x3] =	sbarrier.arrive $0xFFFF;
	s2 =	simm.s32 @!p0 $0x1C02  }
0x80: {  	[timem:s3], [sflag:s2] =	dma.local @!p0 [hbm:s0], s1  }
0x81: {  	s0 =	simm.s32 @!p0 $0x2  }
0x82: {  	_ =	swait.ge @!p0 [sflag:s0], s1  }
0x83: {  	s1 =	ssub.s32 @!p0 $0x0, s1;
	[sflag:s0] =	ssyncset.done @!p0 $0x0  }
0x84: {  	[sflag:s0] =	ssyncadd.s32 @!p0 s1  }
0x85: {  	[bflag:$0x3] =	sbarrier.arrive $0xFFFF  }
0x86: {  	_ =	shalt  }

// kernel: kernel.19.cloned.1.call-start
scs
__scs_entry_jumppad:
0x0: {  	(pc) =	sbr.rel $0x88, $3  }
0x1: {  	(tag) =	ssettag $0x0;
	lr =	simm.s32 $0x1  }
0x2: {  	[smem:$0x3F98] =	sst lr;
	_ =	strace $0xD0000000  }
0x3: {  	_ = 	snop  }
0x4: {  	_ = 	snop  }
0x5: {  	_ = 	snop  }
0x6: {  	_ = 	snop  }
0x7: {  	_ = 	snop  }
__scs_overlays_trampoline_lowered:
0x8: {  	[smem:$0x3FA7] =	sst s0  }
0x9: {  	[smem:$0x3FA8] =	sst s1  }
0xa: {  	[smem:$0x3FA9] =	sst s2  }
0xb: {  	[smem:$0x3FAA] =	sst s3  }
0xc: {  	[smem:$0x3FAB] =	sst s4  }
0xd: {  	[smem:$0x3FAC] =	sst s5  }
0xe: {  	[smem:$0x3FAD] =	sst s6  }
0xf: {  	[smem:$0x3FAE] =	sst s7  }
0x10: {  	[smem:$0x3FAF] =	sst s8  }
0x11: {  	[smem:$0x3FB0] =	sst s9;
	s0 =	simm.s32 @!p0 $0x0  }
0x12: {  	s1 =	sld [smem:$0x3F96];
	s0 =	simm.s32 @p0 $0x1  }
0x13: {  	[smem:$0x3FB1] =	sst s0;
	s0 =	simm.s32 @!p1 $0x0  }
0x14: {  	s2 =	sld [smem:$0x3F95];
	s0 =	simm.s32 @p1 $0x1  }
0x15: {  	[smem:$0x3FB2] =	sst s0;
	s0 =	simm.s32 @!p2 $0x0  }
0x16: {  	s3 =	sld [smem:$0x3FDB];
	s0 =	simm.s32 @p2 $0x1  }
0x17: {  	s4 =	simm.s32 $0x1BF5;
	[smem:$0x3FB4] =	sst s0  }
0x18: {  	s0 =	sld [smem:$0x3F97];
	_ =	swait.ge [sflag:s4], $0x0  }
0x19: {  	s7 =	sld [smem:$0x3F98]  }
0x1a: {  	s8 =	sadd.s32 $0xFFFFE003, lr  }
0x1b: {  	s9 =	sadd.s32 $0xFFFFFEF7, lr;
	s5 =	simm.s32 $0xFFFFFFFF;
	p2 =	slt.u32 s8, $0xFFFFF086  }
0x1c: {  	p1 =	slt.u32 s9, $0xF7A;
	s5 =	simm.s32 @!p2 $0x0  }
0x1d: {  	s5 =	simm.s32 @p1 $0x1;
	p0 =	seq.s32 s7, s2  }
0x1e: {  	s7 =	smul.u32 @!p0 $0xF7A, s2;
	p2 =	seq.s32 @!p0 s5, $0x0  }
0x1f: {  	s9 =	smul.u32 $0xF7A, s1;
	s8 =	simm.s32 @!p0 $0x1BF5;
	p2 =	por !p2, p0  }
0x20: {  	[sflag:s8] =	ssyncset.s32 @!p0 $0xFFFFF086;
	s6 =	sadd.s32 @!p0 s3, s7;
	s7 =	simm.s32 @!p0 $0x108  }
0x21: {  	s3 =	sadd.s32 s3, s9;
	s6 =	sadd.s32 @!p0 $0x88, s6;
	s7 =	simm.s32 @p2 $0x1082  }
0x22: {  	[simem:s7], [sflag:s8] =	dma.local @!p0 [hbm:s6], $0xF7A  }
0x23: {  	s9 =	sor.u32 $0xD0000000, s2;
	s6 =	simm.s32 $0x108;
	_ =	swait.ge @!p0 [sflag:s8], $0x0  }
0x24: {  	s3 =	sadd.s32 $0x88, s3;
	s6 =	simm.s32 @!p1 $0x1082;
	[sflag:s4] =	ssyncset.s32 $0xFFFFF086  }
0x25: {  	[simem:s6], [sflag:s4] =	dma.local [hbm:s3], $0xF7A  }
0x26: {  	[smem:$0x3F98] =	sst s1;
	(tag) =	ssettag s2;
	_ =	strace s9  }
0x27: {  	s1 =	sld [smem:$0x3FA8]  }
0x28: {  	s2 =	sld [smem:$0x3FA9]  }
0x29: {  	s4 =	sld [smem:$0x3FAB]  }
0x2a: {  	p0 =	seq.s32 s5, $0x0;
	s5 =	sld [smem:$0x3FAC]  }
0x2b: {  	s6 =	sld [smem:$0x3FAD]  }
0x2c: {  	s7 =	sld [smem:$0x3FAE]  }
0x2d: {  	s3 =	simm.s32 $0x108;
	s8 =	sld [smem:$0x3FAF]  }
0x2e: {  	s3 =	simm.s32 @!p0 $0x1082;
	s9 =	sld [smem:$0x3FB0]  }
0x2f: {  	lr =	sadd.s32 s0, s3;
	s0 =	sld [smem:$0x3FA7]  }
0x30: {  	s3 =	sld [smem:$0x3FAA]  }
0x31: {  	[smem:$0x3FB3] =	sst s10  }
0x32: {  	s10 =	sld [smem:$0x3FB1];
	_ =	sdelay $0x3  }
0x33: {  	p0 =	seq.s32 s10, $0x1;
	s10 =	sld [smem:$0x3FB3];
	_ =	sdelay $0x3  }
0x34: {  	[smem:$0x3FB3] =	sst s10  }
0x35: {  	s10 =	sld [smem:$0x3FB2];
	_ =	sdelay $0x3  }
0x36: {  	p1 =	seq.s32 s10, $0x1;
	s10 =	sld [smem:$0x3FB3];
	_ =	sdelay $0x3  }
0x37: {  	[smem:$0x3FB3] =	sst s10  }
0x38: {  	s10 =	sld [smem:$0x3FB4]  }
0x39: {  	_ = 	snop;
	(pc) =	sbr.ind lr, $3  }
0x3a: {  	_ = 	snop  }
0x3b: {  	_ = 	snop  }
0x3c: {  	p2 =	seq.s32 s10, $0x1;
	s10 =	sld [smem:$0x3FB3]  }
0x3d: {  	_ =	shalt  }
0x3e: {  	_ =	shalt  }
0x3f: {  	_ =	shalt  }
0x40: {  	_ =	shalt  }
0x41: {  	_ =	shalt  }
0x42: {  	_ =	shalt  }
0x43: {  	_ =	shalt  }
0x44: {  	_ =	shalt  }
0x45: {  	_ =	shalt  }
0x46: {  	_ =	shalt  }
0x47: {  	_ =	shalt  }
0x48: {  	_ =	shalt  }
0x49: {  	_ =	shalt  }
0x4a: {  	_ =	shalt  }
0x4b: {  	_ =	shalt  }
0x4c: {  	_ =	shalt  }
0x4d: {  	_ =	shalt  }
0x4e: {  	_ =	shalt  }
0x4f: {  	_ =	shalt  }
0x50: {  	_ =	shalt  }
0x51: {  	_ =	shalt  }
0x52: {  	_ =	shalt  }
0x53: {  	_ =	shalt  }
0x54: {  	_ =	shalt  }
0x55: {  	_ =	shalt  }
0x56: {  	_ =	shalt  }
0x57: {  	_ =	shalt  }
0x58: {  	_ =	shalt  }
0x59: {  	_ =	shalt  }
0x5a: {  	_ =	shalt  }
0x5b: {  	_ =	shalt  }
0x5c: {  	_ =	shalt  }
0x5d: {  	_ =	shalt  }
0x5e: {  	_ =	shalt  }
0x5f: {  	_ =	shalt  }
0x60: {  	_ =	shalt  }
0x61: {  	_ =	shalt  }
0x62: {  	_ =	shalt  }
0x63: {  	_ =	shalt  }
0x64: {  	_ =	shalt  }
0x65: {  	_ =	shalt  }
0x66: {  	_ =	shalt  }
0x67: {  	_ =	shalt  }
0x68: {  	_ =	shalt  }
0x69: {  	_ =	shalt  }
0x6a: {  	_ =	shalt  }
0x6b: {  	_ =	shalt  }
0x6c: {  	_ =	shalt  }
0x6d: {  	_ =	shalt  }
0x6e: {  	_ =	shalt  }
0x6f: {  	_ =	shalt  }
0x70: {  	_ =	shalt  }
0x71: {  	_ =	shalt  }
0x72: {  	_ =	shalt  }
0x73: {  	_ =	shalt  }
0x74: {  	_ =	shalt  }
0x75: {  	_ =	shalt  }
0x76: {  	_ =	shalt  }
0x77: {  	_ =	shalt  }
0x78: {  	_ =	shalt  }
0x79: {  	_ =	shalt  }
0x7a: {  	_ =	shalt  }
0x7b: {  	_ =	shalt  }
0x7c: {  	_ =	shalt  }
0x7d: {  	_ =	shalt  }
0x7e: {  	_ =	shalt  }
0x7f: {  	_ =	shalt  }
0x80: {  	_ =	shalt  }
0x81: {  	_ =	shalt  }
0x82: {  	_ =	shalt  }
0x83: {  	_ =	shalt  }
0x84: {  	_ =	shalt  }
0x85: {  	_ =	shalt  }
0x86: {  	_ =	shalt  }
0x87: {  	_ =	shalt  }
.Lfunc_end0:
.L_simem_size_0:
called_computation.3_lowered:
.L_overlay_start_0:
0x88: {  	s2 =	sld [smem:$0x3FD9]  }
0x89: {  	s3 =	sld [smem:$0x3FFE];
	_ =	sdelay $0x1  }
0x8a: {  	s1 =	srdreg.scid  }
0x8b: {  	s0 =	sand.u32 $0x1, s1  }
0x8c: {  	s17 =	sshll.u32 s0, $0xA;
	s2 =	sadd.s32 s3, s2  }
0x8d: {  	s2 =	sadd.s32 s2, s17  }
0x8e: {  	[smem:$0x3FBF] =	sst s2  }
0x8f: {  	_ = 	snop  }
0x90: {  	s2 =	sld [smem:$0x3FC7];
	(tm) =	ssettm $0x1  }
0x91: {  	s18 =	sld [smem:$0x3FFB];
	_ =	sdelay $0x3  }
0x92: {  	_ =	strace s18  }
0x93: {  	s3 =	sld [smem:$0x3FFC];
	_ =	sdelay $0x3  }
0x94: {  	_ =	strace s3  }
0x95: {  	s3 =	sld [smem:$0x3FFD];
	_ =	sdelay $0x3  }
0x96: {  	_ =	strace s3  }
0x97: {  	_ =	strace $0x8FFFFFFF  }
0x98: {  	s19 =	sld [smem:$0x3FDB];
	_ =	sdelay $0x1  }
0x99: {  	s4 =	simm.s32 $_scs_section_size  }
0x9a: {  	s5 =	simm.s32 $_size__tile_overlayer_lowered;
	s6 =	simm.s32 $_tile_overlayer_lowered  }
0x9b: {  	s22 =	simm.s32 $0x1BFF;
	s21 =	sshll.u32 s6, $0x1;
	s3 =	sadd.s32 s4, s19  }
0x9c: {  	s7 =	simm.s32 $0x0;
	s20 =	sshll.u32 s5, $0x1;
	s5 =	sadd.s32 s21, s3  }
0x9d: {  	[timem:s7], [sflag:s22] =	dma.local [hbm:s5], s20  }
0x9e: {  	_ =	swait.ge [sflag:s22], s20  }
0x9f: {  	s4 =	ssub.s32 $0x0, s20;
	[sflag:s22] =	ssyncset.done $0x0  }
0xa0: {  	[sflag:s22] =	ssyncadd.s32 s4;
	_ =	sdelay $0x1  }
0xa1: {  	s23 =	simm.s32 $0x1B8B  }
0xa2: {  	_ =	swait.ge [sflag:s23], $0x1  }
0xa3: {  	[sflag:s23] =	ssyncset.done $0x0  }
0xa4: {  	s25 =	simm.s32 $0x1B8E;
	s24 =	sld [smem:$0x3FFE];
	[sflag:s23] =	ssyncadd.s32 $0xFFFFFFFF  }
0xa5: {  	s26 =	simm.s32 $execute0_lowered;
	[smem:$0x3FD2] =	sst s25  }
0xa6: {  	s5 =	sshll.u32 s26, $0x1;
	_ =	strace $0x8000004F;
	[dreg:$0x1] =	wrdreg $0xFFFFFFFF  }
0xa7: {  	s28 =	simm.s32 $_size_execute0_lowered;
	s3 =	sadd.s32 s3, s5;
	[dreg:$0x0] =	wrdreg $0x0  }
0xa8: {  	s5 =	sshll.u32 s28, $0x1;
	[dreg:$0x2] =	wrdreg s3  }
0xa9: {  	[dreg:$0x3] =	wrdreg s5  }
0xaa: {  	[dreg:$0x4] =	wrdreg $0xC0  }
0xab: {  	_ =	task [dreg:s7], $0x5FFFF  }
0xac: {  	[dreg:$0x1] =	wrdreg $0xFFFFFFFF  }
0xad: {  	[dreg:$0x0] =	wrdreg $0x60  }
0xae: {  	[dreg:$0x2] =	wrdreg s24  }
0xaf: {  	[dreg:$0x3] =	wrdreg s2  }
0xb0: {  	[dreg:$0x4] =	wrdreg $0x9  }
0xb1: {  	_ =	task.clear_ibuf [dreg:s7], $0x5FFFF;
	_ =	strace $0x9000004F  }
0xb2: {  	s29 =	simm.s32 $0x9;
	_ =	strace $0x80000051  }
0xb3: {  	_ =	swait.ge [sflag:s29], $0x1  }
0xb4: {  	[sflag:s29] =	ssyncadd.s32 $0xFFFFFFFF  }
0xb5: {  	_ =	strace $0x90000051  }
0xb6: {  	_ =	sfence  }
0xb7: {  	s30 =	sld [smem:$0x0];
	_ =	sdelay $0x2  }
0xb8: {  	s31 =	sshll.u32 s1, $0xD;
	s1 =	sshrl.u32 s1, $0x2  }
0xb9: {  	s3 =	sand.u32 $0x4000, s31;
	s1 =	sadd.s32 s1, s30  }
0xba: {  	s0 =	sor.u32 s3, s0;
	s1 =	sshll.u32 s1, $0x11  }
0xbb: {  	s0 =	sor.u32 s1, s0  }
0xbc: {  	s0 =	sadd.s32 $0x8F2B, s0  }
0xbd: {  	[sflag:s0] =	ssyncadd.remote.s32 $0x1  }
0xbe: {  	_ =	sfence.sel $0xFFFF  }
0xbf: {  	[dreg:$0x0] =	wrdreg $0xFFFFFFFF;
	(pc) =	sbr.abs _section_cstart, $3  }
0xc0: {  	[dreg:$0x1] =	wrdreg $0xFFFFFFFF  }
0xc1: {  	_ =	task.clear_ibuf [dreg:s7], $0x2FFFF;
	_ =	strace $0x9FFFFFFF  }
0xc2: {  	(tm) =	ssettm $0x7FFFFFFF  }
0xc3: {  	_ =	shalt  }
tec
execute0_lowered:
.L_overlay_start_1:
0x0: {  	(tag) =	ssettag $0x1  }
0x1: {  	s0 =	srdreg.scid;
	s7 =	rddreg [dreg:$0x0]  }
0x2: {  	s2 =	rddreg [dreg:$0x1];
	s1 =	stileid.u32  }
0x3: {  	s3 =	simm.s32 $0x0;
	s11 =	simm.s32 $0x2780;
	s5 =	sand.u32 $0x1, s0  }
0x4: {  	s12 =	simm.s32 $0x5700;
	s13 =	simm.s32 $0x5F00;
	s4 =	sshll.u32 s5, $0x4  }
0x5: {  	s14 =	simm.s32 $0x2F80;
	s0 =	rddreg [dreg:$0x2];
	s4 =	sor.u32 s1, s4  }
0x6: {  	s15 =	simm.s32 $0x0;
	[smem:$0x7FF] =	sst s3;
	s4 =	smul.u32 $0x2710, s4  }
0x7: {  	s6 =	sadd.s32 $0x2800, s7;
	_ =	strace $0x80000050;
	s8 =	ssub.s32 $0x2, s5  }
0x8: {  	s5 =	sadd.s32 $0x16400, s7;
	s10 =	sshrl.u32 s8, $0x1;
	s9 =	sshrl.u32 s4, $0x3  }
0x9: {  	s10 =	ssub.s32 s8, s10;
	s9 =	sadd.s32 s9, s7;
	s7 =	sadd.s32 $0xC600, s7  }
0xa: {  	v0 =	vimm.f32 $0.0e+00;
	s8 =	sadd.s32 $0x16A00, s9;
	s9 =	smax.u32 s10, $0x1;
	s10 =	simm.s32 $0x1  }
.LBB2_1:
0xb: {  	s16 =	simm.s32 $0x40;
	s17 =	simm.s32 $0x0  }
.LBB2_2:
0xc: {  	p0 =	sne.s32 s16, $0x9C00;
	[tilespmem:s17+$0x2F80] =	vst v0;
	s17 =	smov.u32 s16;
	s16 =	sadd.s32 $0x40, s16  }
.Ltmp0:
0xd: {  	(pc) =	sbr.rel @p0 .LBB2_2-.Ltmp0, $2  }
0xe: {  	_ =	sdelay $0x2  }
0xf: {  	s17 =	sshra.s32 s17, $0x2  }
0x10: {  	[tilespmem:s17+$0x2F80] =	vst v0;
	s16 =	simm.s32 $0x0  }
0x11: {  	[tilespmem:s16], [sflag:$0x1] =	stream.linear.gather [hbm4b:s5+s16], $0x2780, $0x38;
	[tilespmem:$0x6700] =	vst v63  }
0x12: {  	_ =	swait.ge [sflag:s10], $0x2780  }
0x13: {  	[sflag:s10] =	ssyncset.done $0x0  }
0x14: {  	s17 =	simm.s32 $0x0;
	[sflag:s10] =	ssyncadd.s32 $0xFFFFD880  }
.LBB2_4:
0x15: {  	s18 =	smul.u32 $0x7D0, s17;
	_ =	sdelay $0x1  }
0x16: {  	s18 =	sadd.s32 s4, s18  }
0x17: {  	s18 =	sshrl.u32 s18, $0x3  }
0x18: {  	s19 =	sadd.s32 s6, s18  }
0x19: {  	[tilespmem:s11], [sflag:$0x1] =	stream.linear.gather [hbm4b:s19+s16], $0x7D0, $0x38;
	[tilespmem:$0x6700] =	vst v63  }
0x1a: {  	_ =	swait.ge [sflag:s10], $0x7D0  }
0x1b: {  	[sflag:s10] =	ssyncset.done $0x0  }
0x1c: {  	s31 =	sadd.s32 s7, s18;
	[sflag:s10] =	ssyncadd.s32 $0xFFFFF830  }
0x1d: {  	[tilespmem:s12], [sflag:$0x1] =	stream.linear.gather [hbm4b:s31+s16], $0x7D0, $0x38;
	[tilespmem:$0x6700] =	vst v63  }
0x1e: {  	_ =	swait.ge [sflag:s10], $0x7D0  }
0x1f: {  	[sflag:s10] =	ssyncset.done $0x0  }
0x20: {  	s18 =	sadd.s32 s2, s18;
	[sflag:s10] =	ssyncadd.s32 $0xFFFFF830  }
0x21: {  	[tilespmem:s13], [sflag:$0x1] =	stream.linear.gather [hbm4b:s18+s16], $0x7D0, $0x38;
	[tilespmem:$0x6700] =	vst v63  }
0x22: {  	_ =	swait.ge [sflag:s10], $0x7D0  }
0x23: {  	[sflag:s10] =	ssyncset.done $0x0  }
0x24: {  	s19 =	simm.s32 $0x0;
	s18 =	simm.s32 $0x40;
	[sflag:s10] =	ssyncadd.s32 $0xFFFFF830  }
.LBB2_5:
0x25: {  	p0 =	sne.s32 s18, $0x1F00;
	v1 =	vld [tilespmem:s19+$0x2780];
	_ =	sdelay $0x6  }
0x26: {  	v2 =	vld [tilespmem:s19+$0x5700]  }
0x27: {  	v1 =	vld.idx.msk [tilespmem:v1+s3+$0x0], $0xffff  }
0x28: {  	v3 =	vld [tilespmem:s19+$0x5F00];
	_ =	sdelay $0x2  }
.Ltmp1:
0x29: {  	(pc) =	sbr.rel @p0 .LBB2_5-.Ltmp1, $3  }
0x2a: {  	_ = 	snop  }
0x2b: {  	v1 =	vmul.f32 v1, v3;
	_ =	sdelay $0x1  }
0x2c: {  	s19 =	sshra.s32 s18, $0x2;
	s18 =	sadd.s32 $0x40, s18;
	[tilespmem:v2+s14+$0x0] =	vst.idx.add.f32.msk $0xffff, v1  }
0x2d: {  	v1 =	vld [tilespmem:s19+$0x2780];
	_ =	sdelay $0x5  }
0x2e: {  	v2 =	vld [tilespmem:s19+$0x5700]  }
0x2f: {  	v3 =	vld [tilespmem:s19+$0x5F00]  }
0x30: {  	v1 =	vld.idx.msk [tilespmem:v1+s3+$0x0], $0xffff  }
0x31: {  	s17 =	sadd.s32 $0x1, s17  }
0x32: {  	p0 =	sne.s32 s17, $0x5  }
.Ltmp2:
0x33: {  	_ = 	snop;
	(pc) =	sbr.rel @p0 .LBB2_4-.Ltmp2, $3  }
0x34: {  	_ = 	snop  }
0x35: {  	v1 =	vmul.f32 v1, v3;
	_ =	sdelay $0x1  }
0x36: {  	[tilespmem:v2+s14+$0x0] =	vst.idx.add.f32.msk $0xffff, v1  }
0x37: {  	s15 =	sadd.s32 $0x1, s15  }
0x38: {  	p0 =	sne.s32 s15, s9  }
.Ltmp3:
0x39: {  	_ = 	snop;
	(pc) =	sbr.rel @p0 .LBB2_1-.Ltmp3, $4  }
0x3a: {  	[hbm4b:s8+s3] =	stream.linear.scatter [tilespmem:s14], [sflag:$0x1], $0x2710, $0x38;
	[tilespmem:$0x6700] =	vst v63  }
0x3b: {  	_ =	swait.ge [sflag:s10], $0x2710  }
0x3c: {  	[sflag:s10] =	ssyncset.done $0x0  }
0x3d: {  	[sflag:s10] =	ssyncadd.s32 $0xFFFFD8F0  }
0x3e: {  	_ =	sfence.sel $0x180000  }
0x3f: {  	[bflag:$0x0] =	sbarrier.arrive $0xFFFF  }
0x40: {  	p0 =	sne.s32 s1, $0x0;
	_ =	strace $0x90000050  }
0x41: {  	s0 =	sadd.s32 @!p0 $0x100000, s0;
	[bflag:$0x2] =	sbarrier.arrive $0xFFFF  }
0x42: {  	[sflag:s0] =	ssyncadd.tile.s32 @!p0 $0x1;
	_ =	shalt  }
.Lfunc_end2:
_tile_overlayer_lowered:
.L_overlay_start_2:
0x43: {  	(tag) =	ssettag $0x2  }
0x44: {  	s0 =	rddreg [dreg:$0x0];
	s2 =	stileid.u32  }
0x45: {  	s1 =	rddreg [dreg:$0x1];
	p0 =	sne.s32 s2, $0x0  }
0x46: {  	s3 =	rddreg [dreg:$0x2];
	[bflag:$0x3] =	sbarrier.arrive $0xFFFF;
	s2 =	simm.s32 @!p0 $0x1C01  }
0x47: {  	[timem:s3], [sflag:s2] =	dma.local @!p0 [hbm:s0], s1  }
0x48: {  	s0 =	simm.s32 @!p0 $0x1  }
0x49: {  	_ =	swait.ge @!p0 [sflag:s0], s1  }
0x4a: {  	s1 =	ssub.s32 @!p0 $0x0, s1;
	[sflag:s0] =	ssyncset.done @!p0 $0x0  }
0x4b: {  	[sflag:s0] =	ssyncadd.s32 @!p0 s1  }
0x4c: {  	[bflag:$0x3] =	sbarrier.arrive $0xFFFF  }
0x4d: {  	_ =	shalt  }

</sc_bundles>
